<compile_context>
chip_gen: v7x
topology: tpu7x:2x2x1
jax: 0.10.2.dev20260603
libtpu: 0.0.44.dev20260713+nightly
codegen_flags: <defaults>
</compile_context>

<pallas_src>
import jax
import jax.numpy as jnp
from jax import lax
from jax.experimental import pallas as pl
from jax.experimental.pallas import tpu as pltpu
from jax.experimental.pallas import tpu_sc as plsc

_B, _S, _L, _D = 1024, 20, 4, 768
_VOCAB = 102
_T = _B * _S
_NC, _NS = 2, 16
_NW = _NC * _NS
_TPW = _T // _NW
_BPW = _B // _NW
_CHUNK = _S


def _body(ids_hbm, table_hbm, out_hbm, table_v, ids_v, obuf, sem0, sem1):
    wid = lax.axis_index("s") * _NC + lax.axis_index("c")
    base = wid * _TPW
    pltpu.sync_copy(table_hbm, table_v)
    pltpu.sync_copy(ids_hbm.at[pl.ds(base * _L, _TPW * _L)], ids_v)
    zero = jnp.zeros((16,), jnp.float32)
    for j in range(_D // 16):
        table_v[0, pl.ds(j * 16, 16)] = zero
    sems = (sem0, sem1)

    def pair_body(c2, carry):
        for b in range(2):
            c = c2 * 2 + b

            @pl.when(c2 > 0)
            def _wait():
                pltpu.make_async_copy(
                    obuf.at[b], out_hbm.at[wid * _BPW], sems[b]).wait()

            def grp_body(g, carry2):
                iv = ids_v[pl.ds((c * _CHUNK + g * 4) * _L, 16)]
                rows = [iv[k] for k in range(16)]

                @plsc.parallel_loop(0, _D // 16, unroll=4)
                def j_body(j):
                    ds = pl.ds(j * 16, 16)
                    for tt in range(4):
                        i0, i1, i2, i3 = rows[4 * tt:4 * tt + 4]
                        v = jnp.maximum(
                            jnp.maximum(table_v[i0, ds], table_v[i1, ds]),
                            jnp.maximum(table_v[i2, ds], table_v[i3, ds]))
                        obuf[b, g * 4 + tt, ds] = v
                return carry2

            lax.fori_loop(0, _CHUNK // 4, grp_body, 0)
            pltpu.async_copy(obuf.at[b], out_hbm.at[wid * _BPW + c], sems[b])
        return carry

    lax.fori_loop(0, _BPW // 2, pair_body, 0)
    for b in range(2):
        pltpu.make_async_copy(
            obuf.at[b], out_hbm.at[wid * _BPW], sems[b]).wait()


@jax.jit
def _glyph(ids_flat, table):
    mesh = plsc.VectorSubcoreMesh(core_axis_name="c", subcore_axis_name="s")
    f = pl.kernel(
        _body,
        out_type=jax.ShapeDtypeStruct((_B, _S, _D), jnp.float32),
        mesh=mesh,
        scratch_types=[
            pltpu.VMEM((_VOCAB, _D), jnp.float32),
            pltpu.VMEM((_TPW * _L,), jnp.int32),
            pltpu.VMEM((2, _CHUNK, _D), jnp.float32),
            pltpu.SemaphoreType.DMA,
            pltpu.SemaphoreType.DMA,
        ],
    )
    return f(ids_flat, table)


def kernel(zixing_ids, table):
    ids_flat = zixing_ids.reshape(_T * _L)
    return _glyph(ids_flat, table)

# --- scband reference (transcript-rebuilt; emitter-appended) ---
"""Pipeline reference for scband-glyph-embedding-73710228734803 (READ-ONLY COPY).

The authoritative reference and input builder live on the scoring server;
editing this copy changes nothing except your own understanding.
"""

import jax, jax.numpy as jnp
import numpy as np

B, S, L, D = 1024, 20, 4, 768
VOCAB = 102  # len(zixing_id) + 2


def setup_inputs(seed: int = 0) -> dict:
    key = jax.random.key(seed)
    k1, k2 = jax.random.split(key)
    zixing_ids = jax.random.randint(k1, (B, S, L), 0, 100, dtype=jnp.int32)
    table = jax.random.normal(k2, (VOCAB, D), dtype=jnp.float32)
    return {"zixing_ids": zixing_ids, "table": table}


def reference(zixing_ids, table):
    # embed = self.embedding(zixing_ids)
    embed = jnp.take(table, zixing_ids, axis=0)  # [B, S, L, D]
    bs, sentence_length, zixing_locs, embed_size = embed.shape
    # produce_zixing_id_mask: 1.0 where id is non-padding (id != 0)
    mask = (zixing_ids != 0).astype(embed.dtype)  # [B, S, L]
    view_embed = embed.reshape(-1, zixing_locs, embed_size)  # [B*S, L, D]
    mask = mask.reshape(-1, zixing_locs, 1)  # [B*S, L, 1]
    embed = view_embed * mask
    input_embed = jnp.transpose(embed, (0, 2, 1))  # [B*S, D, L]
    # F.max_pool1d with kernel = full length -> max over last axis
    zixing_embed = jnp.max(input_embed, axis=-1)  # [B*S, D]
    zixing = zixing_embed.reshape(bs, sentence_length, 768)
    return zixing

if __name__ == "__main__":
    import jax
    _d = setup_inputs()
    print(jax.jit(kernel)(*tuple(_d.values())))

</pallas_src>

<mosaic_0001>
#map = affine_map<(d0, d1) -> (0)>
#map1 = affine_map<(d0, d1) -> (0, 0)>
#map2 = affine_map<(d0, d1) -> (0, 0, 0)>
module attributes {stable_mosaic.version = 14 : i64} {
  func.func @_body(%arg0: i32, %arg1: i32, %arg2: memref<81920xi32, #tpu.memory_space<hbm>>, %arg3: memref<102x768xf32, #tpu.memory_space<hbm>>, %arg4: memref<1024x20x768xf32, #tpu.memory_space<hbm>>, %arg5: memref<102x768xf32, #tpu.memory_space<vmem>>, %arg6: memref<2560xi32, #tpu.memory_space<vmem>>, %arg7: memref<2x20x768xf32, #tpu.memory_space<vmem>>, %arg8: memref<!tpu.dma_semaphore, #tpu.memory_space<semaphore_mem>>, %arg9: memref<!tpu.dma_semaphore, #tpu.memory_space<semaphore_mem>>) attributes {dimension_semantics = [#tpu.dimension_semantics<core_parallel>, #tpu.dimension_semantics<subcore_parallel>], iteration_bounds = array<i64: 2, 16>, scalar_prefetch = 0 : i64, scratch_operands = 5 : i64, tpu.core_type = #tpu.core_type<sc_vector_subcore>, window_params = [{transform_indices = #map}, {transform_indices = #map1}, {transform_indices = #map2}]} {
    %mul3A = arith.constant 2 : i32
    %mul3A_0 = arith.muli %arg1, %mul3A : i32
    %add3A = arith.addi %mul3A_0, %arg0 : i32
    %mul3A_1 = arith.constant 640 : i32
    %mul3A_2 = arith.muli %add3A, %mul3A_1 : i32
    "tpu.region"() ({
      %run_scoped3A = tpu.sem_alloc : memref<!tpu.dma_semaphore, #tpu.memory_space<semaphore_mem>>
      tpu.enqueue_dma source(%arg3 : memref<102x768xf32, #tpu.memory_space<hbm>>) target(%arg5 : memref<102x768xf32, #tpu.memory_space<vmem>>) target_semaphore(%run_scoped3A : memref<!tpu.dma_semaphore, #tpu.memory_space<semaphore_mem>>)
      tpu.wait_dma2 semaphore(%run_scoped3A : memref<!tpu.dma_semaphore, #tpu.memory_space<semaphore_mem>>) src(%arg3 : memref<102x768xf32, #tpu.memory_space<hbm>>) dst(%arg5 : memref<102x768xf32, #tpu.memory_space<vmem>>)
      tpu.yield
    }) : () -> ()
    %mul3A_3 = arith.constant 4 : i32
    %mul3A_4 = arith.muli %mul3A_2, %mul3A_3 : i32
    "tpu.region"() ({
      %run_scoped3A = tpu.sem_alloc : memref<!tpu.dma_semaphore, #tpu.memory_space<semaphore_mem>>
      %dma_start3A = tpu.memref_slice %arg2[%mul3A_4] : memref<81920xi32, #tpu.memory_space<hbm>> -> memref<2560xi32, #tpu.memory_space<hbm>>
      %dma_start3A_335 = tpu.memref_slice %arg2[%mul3A_4] : memref<81920xi32, #tpu.memory_space<hbm>> -> memref<2560xi32, #tpu.memory_space<hbm>>
      tpu.enqueue_dma source(%dma_start3A_335 : memref<2560xi32, #tpu.memory_space<hbm>>) target(%arg6 : memref<2560xi32, #tpu.memory_space<vmem>>) target_semaphore(%run_scoped3A : memref<!tpu.dma_semaphore, #tpu.memory_space<semaphore_mem>>)
      %dma_wait3A_336 = tpu.memref_slice %arg2[%mul3A_4] : memref<81920xi32, #tpu.memory_space<hbm>> -> memref<2560xi32, #tpu.memory_space<hbm>>
      %dma_wait3A_337 = tpu.memref_slice %arg2[%mul3A_4] : memref<81920xi32, #tpu.memory_space<hbm>> -> memref<2560xi32, #tpu.memory_space<hbm>>
      tpu.wait_dma2 semaphore(%run_scoped3A : memref<!tpu.dma_semaphore, #tpu.memory_space<semaphore_mem>>) src(%dma_wait3A_337 : memref<2560xi32, #tpu.memory_space<hbm>>) dst(%arg6 : memref<2560xi32, #tpu.memory_space<vmem>>)
      tpu.yield
    }) : () -> ()
    %broadcast_in_dim3A = arith.constant 0.000000e+00 : f32
    %broadcast_in_dim3A_5 = vector.broadcast %broadcast_in_dim3A : f32 to vector<16xf32>
    %swap3A = arith.constant 0 : i32
    %swap3A_6 = arith.index_cast %swap3A : i32 to index
    %swap3A_7 = arith.constant 0 : index
    %swap3A_8 = tpu.vector_load %arg5[%swap3A_6, %swap3A_7] {strides = array<i32>} : memref<102x768xf32, #tpu.memory_space<vmem>>, vector<1x16xf32>,
    %swap3A_9 = vector.shape_cast %swap3A_8 : vector<1x16xf32> to vector<16xf32>
    %swap3A_10 = vector.shape_cast %broadcast_in_dim3A_5 : vector<16xf32> to vector<1x16xf32>
    tpu.vector_store %arg5[%swap3A_6, %swap3A_7], %swap3A_10 {strides = array<i32>} : memref<102x768xf32, #tpu.memory_space<vmem>>, vector<1x16xf32>,
    %swap3A_11 = arith.constant 0 : i32
    %swap3A_12 = arith.index_cast %swap3A_11 : i32 to index
    %swap3A_13 = arith.constant 16 : index
    %swap3A_14 = tpu.vector_load %arg5[%swap3A_12, %swap3A_13] {strides = array<i32>} : memref<102x768xf32, #tpu.memory_space<vmem>>, vector<1x16xf32>,
    %swap3A_15 = vector.shape_cast %swap3A_14 : vector<1x16xf32> to vector<16xf32>
    %swap3A_16 = vector.shape_cast %broadcast_in_dim3A_5 : vector<16xf32> to vector<1x16xf32>
    tpu.vector_store %arg5[%swap3A_12, %swap3A_13], %swap3A_16 {strides = array<i32>} : memref<102x768xf32, #tpu.memory_space<vmem>>, vector<1x16xf32>,
    %swap3A_17 = arith.constant 0 : i32
    %swap3A_18 = arith.index_cast %swap3A_17 : i32 to index
    %swap3A_19 = arith.constant 32 : index
    %swap3A_20 = tpu.vector_load %arg5[%swap3A_18, %swap3A_19] {strides = array<i32>} : memref<102x768xf32, #tpu.memory_space<vmem>>, vector<1x16xf32>,
    %swap3A_21 = vector.shape_cast %swap3A_20 : vector<1x16xf32> to vector<16xf32>
    %swap3A_22 = vector.shape_cast %broadcast_in_dim3A_5 : vector<16xf32> to vector<1x16xf32>
    tpu.vector_store %arg5[%swap3A_18, %swap3A_19], %swap3A_22 {strides = array<i32>} : memref<102x768xf32, #tpu.memory_space<vmem>>, vector<1x16xf32>,
    %swap3A_23 = arith.constant 0 : i32
    %swap3A_24 = arith.index_cast %swap3A_23 : i32 to index
    %swap3A_25 = arith.constant 48 : index
    %swap3A_26 = tpu.vector_load %arg5[%swap3A_24, %swap3A_25] {strides = array<i32>} : memref<102x768xf32, #tpu.memory_space<vmem>>, vector<1x16xf32>,
    %swap3A_27 = vector.shape_cast %swap3A_26 : vector<1x16xf32> to vector<16xf32>
    %swap3A_28 = vector.shape_cast %broadcast_in_dim3A_5 : vector<16xf32> to vector<1x16xf32>
    tpu.vector_store %arg5[%swap3A_24, %swap3A_25], %swap3A_28 {strides = array<i32>} : memref<102x768xf32, #tpu.memory_space<vmem>>, vector<1x16xf32>,
    %swap3A_29 = arith.constant 0 : i32
    %swap3A_30 = arith.index_cast %swap3A_29 : i32 to index
    %swap3A_31 = arith.constant 64 : index
    %swap3A_32 = tpu.vector_load %arg5[%swap3A_30, %swap3A_31] {strides = array<i32>} : memref<102x768xf32, #tpu.memory_space<vmem>>, vector<1x16xf32>,
    %swap3A_33 = vector.shape_cast %swap3A_32 : vector<1x16xf32> to vector<16xf32>
    %swap3A_34 = vector.shape_cast %broadcast_in_dim3A_5 : vector<16xf32> to vector<1x16xf32>
    tpu.vector_store %arg5[%swap3A_30, %swap3A_31], %swap3A_34 {strides = array<i32>} : memref<102x768xf32, #tpu.memory_space<vmem>>, vector<1x16xf32>,
    %swap3A_35 = arith.constant 0 : i32
    %swap3A_36 = arith.index_cast %swap3A_35 : i32 to index
    %swap3A_37 = arith.constant 80 : index
    %swap3A_38 = tpu.vector_load %arg5[%swap3A_36, %swap3A_37] {strides = array<i32>} : memref<102x768xf32, #tpu.memory_space<vmem>>, vector<1x16xf32>,
    %swap3A_39 = vector.shape_cast %swap3A_38 : vector<1x16xf32> to vector<16xf32>
    %swap3A_40 = vector.shape_cast %broadcast_in_dim3A_5 : vector<16xf32> to vector<1x16xf32>
    tpu.vector_store %arg5[%swap3A_36, %swap3A_37], %swap3A_40 {strides = array<i32>} : memref<102x768xf32, #tpu.memory_space<vmem>>, vector<1x16xf32>,
    %swap3A_41 = arith.constant 0 : i32
    %swap3A_42 = arith.index_cast %swap3A_41 : i32 to index
    %swap3A_43 = arith.constant 96 : index
    %swap3A_44 = tpu.vector_load %arg5[%swap3A_42, %swap3A_43] {strides = array<i32>} : memref<102x768xf32, #tpu.memory_space<vmem>>, vector<1x16xf32>,
    %swap3A_45 = vector.shape_cast %swap3A_44 : vector<1x16xf32> to vector<16xf32>
    %swap3A_46 = vector.shape_cast %broadcast_in_dim3A_5 : vector<16xf32> to vector<1x16xf32>
    tpu.vector_store %arg5[%swap3A_42, %swap3A_43], %swap3A_46 {strides = array<i32>} : memref<102x768xf32, #tpu.memory_space<vmem>>, vector<1x16xf32>,
    %swap3A_47 = arith.constant 0 : i32
    %swap3A_48 = arith.index_cast %swap3A_47 : i32 to index
    %swap3A_49 = arith.constant 112 : index
    %swap3A_50 = tpu.vector_load %arg5[%swap3A_48, %swap3A_49] {strides = array<i32>} : memref<102x768xf32, #tpu.memory_space<vmem>>, vector<1x16xf32>,
    %swap3A_51 = vector.shape_cast %swap3A_50 : vector<1x16xf32> to vector<16xf32>
    %swap3A_52 = vector.shape_cast %broadcast_in_dim3A_5 : vector<16xf32> to vector<1x16xf32>
    tpu.vector_store %arg5[%swap3A_48, %swap3A_49], %swap3A_52 {strides = array<i32>} : memref<102x768xf32, #tpu.memory_space<vmem>>, vector<1x16xf32>,
    %swap3A_53 = arith.constant 0 : i32
    %swap3A_54 = arith.index_cast %swap3A_53 : i32 to index
    %swap3A_55 = arith.constant 128 : index
    %swap3A_56 = tpu.vector_load %arg5[%swap3A_54, %swap3A_55] {strides = array<i32>} : memref<102x768xf32, #tpu.memory_space<vmem>>, vector<1x16xf32>,
    %swap3A_57 = vector.shape_cast %swap3A_56 : vector<1x16xf32> to vector<16xf32>
    %swap3A_58 = vector.shape_cast %broadcast_in_dim3A_5 : vector<16xf32> to vector<1x16xf32>
    tpu.vector_store %arg5[%swap3A_54, %swap3A_55], %swap3A_58 {strides = array<i32>} : memref<102x768xf32, #tpu.memory_space<vmem>>, vector<1x16xf32>,
    %swap3A_59 = arith.constant 0 : i32
    %swap3A_60 = arith.index_cast %swap3A_59 : i32 to index
    %swap3A_61 = arith.constant 144 : index
    %swap3A_62 = tpu.vector_load %arg5[%swap3A_60, %swap3A_61] {strides = array<i32>} : memref<102x768xf32, #tpu.memory_space<vmem>>, vector<1x16xf32>,
    %swap3A_63 = vector.shape_cast %swap3A_62 : vector<1x16xf32> to vector<16xf32>
    %swap3A_64 = vector.shape_cast %broadcast_in_dim3A_5 : vector<16xf32> to vector<1x16xf32>
    tpu.vector_store %arg5[%swap3A_60, %swap3A_61], %swap3A_64 {strides = array<i32>} : memref<102x768xf32, #tpu.memory_space<vmem>>, vector<1x16xf32>,
    %swap3A_65 = arith.constant 0 : i32
    %swap3A_66 = arith.index_cast %swap3A_65 : i32 to index
    %swap3A_67 = arith.constant 160 : index
    %swap3A_68 = tpu.vector_load %arg5[%swap3A_66, %swap3A_67] {strides = array<i32>} : memref<102x768xf32, #tpu.memory_space<vmem>>, vector<1x16xf32>,
    %swap3A_69 = vector.shape_cast %swap3A_68 : vector<1x16xf32> to vector<16xf32>
    %swap3A_70 = vector.shape_cast %broadcast_in_dim3A_5 : vector<16xf32> to vector<1x16xf32>
    tpu.vector_store %arg5[%swap3A_66, %swap3A_67], %swap3A_70 {strides = array<i32>} : memref<102x768xf32, #tpu.memory_space<vmem>>, vector<1x16xf32>,
    %swap3A_71 = arith.constant 0 : i32
    %swap3A_72 = arith.index_cast %swap3A_71 : i32 to index
    %swap3A_73 = arith.constant 176 : index
    %swap3A_74 = tpu.vector_load %arg5[%swap3A_72, %swap3A_73] {strides = array<i32>} : memref<102x768xf32, #tpu.memory_space<vmem>>, vector<1x16xf32>,
    %swap3A_75 = vector.shape_cast %swap3A_74 : vector<1x16xf32> to vector<16xf32>
    %swap3A_76 = vector.shape_cast %broadcast_in_dim3A_5 : vector<16xf32> to vector<1x16xf32>
    tpu.vector_store %arg5[%swap3A_72, %swap3A_73], %swap3A_76 {strides = array<i32>} : memref<102x768xf32, #tpu.memory_space<vmem>>, vector<1x16xf32>,
    %swap3A_77 = arith.constant 0 : i32
    %swap3A_78 = arith.index_cast %swap3A_77 : i32 to index
    %swap3A_79 = arith.constant 192 : index
    %swap3A_80 = tpu.vector_load %arg5[%swap3A_78, %swap3A_79] {strides = array<i32>} : memref<102x768xf32, #tpu.memory_space<vmem>>, vector<1x16xf32>,
    %swap3A_81 = vector.shape_cast %swap3A_80 : vector<1x16xf32> to vector<16xf32>
    %swap3A_82 = vector.shape_cast %broadcast_in_dim3A_5 : vector<16xf32> to vector<1x16xf32>
    tpu.vector_store %arg5[%swap3A_78, %swap3A_79], %swap3A_82 {strides = array<i32>} : memref<102x768xf32, #tpu.memory_space<vmem>>, vector<1x16xf32>,
    %swap3A_83 = arith.constant 0 : i32
    %swap3A_84 = arith.index_cast %swap3A_83 : i32 to index
    %swap3A_85 = arith.constant 208 : index
    %swap3A_86 = tpu.vector_load %arg5[%swap3A_84, %swap3A_85] {strides = array<i32>} : memref<102x768xf32, #tpu.memory_space<vmem>>, vector<1x16xf32>,
    %swap3A_87 = vector.shape_cast %swap3A_86 : vector<1x16xf32> to vector<16xf32>
    %swap3A_88 = vector.shape_cast %broadcast_in_dim3A_5 : vector<16xf32> to vector<1x16xf32>
    tpu.vector_store %arg5[%swap3A_84, %swap3A_85], %swap3A_88 {strides = array<i32>} : memref<102x768xf32, #tpu.memory_space<vmem>>, vector<1x16xf32>,
    %swap3A_89 = arith.constant 0 : i32
    %swap3A_90 = arith.index_cast %swap3A_89 : i32 to index
    %swap3A_91 = arith.constant 224 : index
    %swap3A_92 = tpu.vector_load %arg5[%swap3A_90, %swap3A_91] {strides = array<i32>} : memref<102x768xf32, #tpu.memory_space<vmem>>, vector<1x16xf32>,
    %swap3A_93 = vector.shape_cast %swap3A_92 : vector<1x16xf32> to vector<16xf32>
    %swap3A_94 = vector.shape_cast %broadcast_in_dim3A_5 : vector<16xf32> to vector<1x16xf32>
    tpu.vector_store %arg5[%swap3A_90, %swap3A_91], %swap3A_94 {strides = array<i32>} : memref<102x768xf32, #tpu.memory_space<vmem>>, vector<1x16xf32>,
    %swap3A_95 = arith.constant 0 : i32
    %swap3A_96 = arith.index_cast %swap3A_95 : i32 to index
    %swap3A_97 = arith.constant 240 : index
    %swap3A_98 = tpu.vector_load %arg5[%swap3A_96, %swap3A_97] {strides = array<i32>} : memref<102x768xf32, #tpu.memory_space<vmem>>, vector<1x16xf32>,
    %swap3A_99 = vector.shape_cast %swap3A_98 : vector<1x16xf32> to vector<16xf32>
    %swap3A_100 = vector.shape_cast %broadcast_in_dim3A_5 : vector<16xf32> to vector<1x16xf32>
    tpu.vector_store %arg5[%swap3A_96, %swap3A_97], %swap3A_100 {strides = array<i32>} : memref<102x768xf32, #tpu.memory_space<vmem>>, vector<1x16xf32>,
    %swap3A_101 = arith.constant 0 : i32
    %swap3A_102 = arith.index_cast %swap3A_101 : i32 to index
    %swap3A_103 = arith.constant 256 : index
    %swap3A_104 = tpu.vector_load %arg5[%swap3A_102, %swap3A_103] {strides = array<i32>} : memref<102x768xf32, #tpu.memory_space<vmem>>, vector<1x16xf32>,
    %swap3A_105 = vector.shape_cast %swap3A_104 : vector<1x16xf32> to vector<16xf32>
    %swap3A_106 = vector.shape_cast %broadcast_in_dim3A_5 : vector<16xf32> to vector<1x16xf32>
    tpu.vector_store %arg5[%swap3A_102, %swap3A_103], %swap3A_106 {strides = array<i32>} : memref<102x768xf32, #tpu.memory_space<vmem>>, vector<1x16xf32>,
    %swap3A_107 = arith.constant 0 : i32
    %swap3A_108 = arith.index_cast %swap3A_107 : i32 to index
    %swap3A_109 = arith.constant 272 : index
    %swap3A_110 = tpu.vector_load %arg5[%swap3A_108, %swap3A_109] {strides = array<i32>} : memref<102x768xf32, #tpu.memory_space<vmem>>, vector<1x16xf32>,
    %swap3A_111 = vector.shape_cast %swap3A_110 : vector<1x16xf32> to vector<16xf32>
    %swap3A_112 = vector.shape_cast %broadcast_in_dim3A_5 : vector<16xf32> to vector<1x16xf32>
    tpu.vector_store %arg5[%swap3A_108, %swap3A_109], %swap3A_112 {strides = array<i32>} : memref<102x768xf32, #tpu.memory_space<vmem>>, vector<1x16xf32>,
    %swap3A_113 = arith.constant 0 : i32
    %swap3A_114 = arith.index_cast %swap3A_113 : i32 to index
    %swap3A_115 = arith.constant 288 : index
    %swap3A_116 = tpu.vector_load %arg5[%swap3A_114, %swap3A_115] {strides = array<i32>} : memref<102x768xf32, #tpu.memory_space<vmem>>, vector<1x16xf32>,
    %swap3A_117 = vector.shape_cast %swap3A_116 : vector<1x16xf32> to vector<16xf32>
    %swap3A_118 = vector.shape_cast %broadcast_in_dim3A_5 : vector<16xf32> to vector<1x16xf32>
    tpu.vector_store %arg5[%swap3A_114, %swap3A_115], %swap3A_118 {strides = array<i32>} : memref<102x768xf32, #tpu.memory_space<vmem>>, vector<1x16xf32>,
    %swap3A_119 = arith.constant 0 : i32
    %swap3A_120 = arith.index_cast %swap3A_119 : i32 to index
    %swap3A_121 = arith.constant 304 : index
    %swap3A_122 = tpu.vector_load %arg5[%swap3A_120, %swap3A_121] {strides = array<i32>} : memref<102x768xf32, #tpu.memory_space<vmem>>, vector<1x16xf32>,
    %swap3A_123 = vector.shape_cast %swap3A_122 : vector<1x16xf32> to vector<16xf32>
    %swap3A_124 = vector.shape_cast %broadcast_in_dim3A_5 : vector<16xf32> to vector<1x16xf32>
    tpu.vector_store %arg5[%swap3A_120, %swap3A_121], %swap3A_124 {strides = array<i32>} : memref<102x768xf32, #tpu.memory_space<vmem>>, vector<1x16xf32>,
    %swap3A_125 = arith.constant 0 : i32
    %swap3A_126 = arith.index_cast %swap3A_125 : i32 to index
    %swap3A_127 = arith.constant 320 : index
    %swap3A_128 = tpu.vector_load %arg5[%swap3A_126, %swap3A_127] {strides = array<i32>} : memref<102x768xf32, #tpu.memory_space<vmem>>, vector<1x16xf32>,
    %swap3A_129 = vector.shape_cast %swap3A_128 : vector<1x16xf32> to vector<16xf32>
    %swap3A_130 = vector.shape_cast %broadcast_in_dim3A_5 : vector<16xf32> to vector<1x16xf32>
    tpu.vector_store %arg5[%swap3A_126, %swap3A_127], %swap3A_130 {strides = array<i32>} : memref<102x768xf32, #tpu.memory_space<vmem>>, vector<1x16xf32>,
    %swap3A_131 = arith.constant 0 : i32
    %swap3A_132 = arith.index_cast %swap3A_131 : i32 to index
    %swap3A_133 = arith.constant 336 : index
    %swap3A_134 = tpu.vector_load %arg5[%swap3A_132, %swap3A_133] {strides = array<i32>} : memref<102x768xf32, #tpu.memory_space<vmem>>, vector<1x16xf32>,
    %swap3A_135 = vector.shape_cast %swap3A_134 : vector<1x16xf32> to vector<16xf32>
    %swap3A_136 = vector.shape_cast %broadcast_in_dim3A_5 : vector<16xf32> to vector<1x16xf32>
    tpu.vector_store %arg5[%swap3A_132, %swap3A_133], %swap3A_136 {strides = array<i32>} : memref<102x768xf32, #tpu.memory_space<vmem>>, vector<1x16xf32>,
    %swap3A_137 = arith.constant 0 : i32
    %swap3A_138 = arith.index_cast %swap3A_137 : i32 to index
    %swap3A_139 = arith.constant 352 : index
    %swap3A_140 = tpu.vector_load %arg5[%swap3A_138, %swap3A_139] {strides = array<i32>} : memref<102x768xf32, #tpu.memory_space<vmem>>, vector<1x16xf32>,
    %swap3A_141 = vector.shape_cast %swap3A_140 : vector<1x16xf32> to vector<16xf32>
    %swap3A_142 = vector.shape_cast %broadcast_in_dim3A_5 : vector<16xf32> to vector<1x16xf32>
    tpu.vector_store %arg5[%swap3A_138, %swap3A_139], %swap3A_142 {strides = array<i32>} : memref<102x768xf32, #tpu.memory_space<vmem>>, vector<1x16xf32>,
    %swap3A_143 = arith.constant 0 : i32
    %swap3A_144 = arith.index_cast %swap3A_143 : i32 to index
    %swap3A_145 = arith.constant 368 : index
    %swap3A_146 = tpu.vector_load %arg5[%swap3A_144, %swap3A_145] {strides = array<i32>} : memref<102x768xf32, #tpu.memory_space<vmem>>, vector<1x16xf32>,
    %swap3A_147 = vector.shape_cast %swap3A_146 : vector<1x16xf32> to vector<16xf32>
    %swap3A_148 = vector.shape_cast %broadcast_in_dim3A_5 : vector<16xf32> to vector<1x16xf32>
    tpu.vector_store %arg5[%swap3A_144, %swap3A_145], %swap3A_148 {strides = array<i32>} : memref<102x768xf32, #tpu.memory_space<vmem>>, vector<1x16xf32>,
    %swap3A_149 = arith.constant 0 : i32
    %swap3A_150 = arith.index_cast %swap3A_149 : i32 to index
    %swap3A_151 = arith.constant 384 : index
    %swap3A_152 = tpu.vector_load %arg5[%swap3A_150, %swap3A_151] {strides = array<i32>} : memref<102x768xf32, #tpu.memory_space<vmem>>, vector<1x16xf32>,
    %swap3A_153 = vector.shape_cast %swap3A_152 : vector<1x16xf32> to vector<16xf32>
    %swap3A_154 = vector.shape_cast %broadcast_in_dim3A_5 : vector<16xf32> to vector<1x16xf32>
    tpu.vector_store %arg5[%swap3A_150, %swap3A_151], %swap3A_154 {strides = array<i32>} : memref<102x768xf32, #tpu.memory_space<vmem>>, vector<1x16xf32>,
    %swap3A_155 = arith.constant 0 : i32
    %swap3A_156 = arith.index_cast %swap3A_155 : i32 to index
    %swap3A_157 = arith.constant 400 : index
    %swap3A_158 = tpu.vector_load %arg5[%swap3A_156, %swap3A_157] {strides = array<i32>} : memref<102x768xf32, #tpu.memory_space<vmem>>, vector<1x16xf32>,
    %swap3A_159 = vector.shape_cast %swap3A_158 : vector<1x16xf32> to vector<16xf32>
    %swap3A_160 = vector.shape_cast %broadcast_in_dim3A_5 : vector<16xf32> to vector<1x16xf32>
    tpu.vector_store %arg5[%swap3A_156, %swap3A_157], %swap3A_160 {strides = array<i32>} : memref<102x768xf32, #tpu.memory_space<vmem>>, vector<1x16xf32>,
    %swap3A_161 = arith.constant 0 : i32
    %swap3A_162 = arith.index_cast %swap3A_161 : i32 to index
    %swap3A_163 = arith.constant 416 : index
    %swap3A_164 = tpu.vector_load %arg5[%swap3A_162, %swap3A_163] {strides = array<i32>} : memref<102x768xf32, #tpu.memory_space<vmem>>, vector<1x16xf32>,
    %swap3A_165 = vector.shape_cast %swap3A_164 : vector<1x16xf32> to vector<16xf32>
    %swap3A_166 = vector.shape_cast %broadcast_in_dim3A_5 : vector<16xf32> to vector<1x16xf32>
    tpu.vector_store %arg5[%swap3A_162, %swap3A_163], %swap3A_166 {strides = array<i32>} : memref<102x768xf32, #tpu.memory_space<vmem>>, vector<1x16xf32>,
    %swap3A_167 = arith.constant 0 : i32
    %swap3A_168 = arith.index_cast %swap3A_167 : i32 to index
    %swap3A_169 = arith.constant 432 : index
    %swap3A_170 = tpu.vector_load %arg5[%swap3A_168, %swap3A_169] {strides = array<i32>} : memref<102x768xf32, #tpu.memory_space<vmem>>, vector<1x16xf32>,
    %swap3A_171 = vector.shape_cast %swap3A_170 : vector<1x16xf32> to vector<16xf32>
    %swap3A_172 = vector.shape_cast %broadcast_in_dim3A_5 : vector<16xf32> to vector<1x16xf32>
    tpu.vector_store %arg5[%swap3A_168, %swap3A_169], %swap3A_172 {strides = array<i32>} : memref<102x768xf32, #tpu.memory_space<vmem>>, vector<1x16xf32>,
    %swap3A_173 = arith.constant 0 : i32
    %swap3A_174 = arith.index_cast %swap3A_173 : i32 to index
    %swap3A_175 = arith.constant 448 : index
    %swap3A_176 = tpu.vector_load %arg5[%swap3A_174, %swap3A_175] {strides = array<i32>} : memref<102x768xf32, #tpu.memory_space<vmem>>, vector<1x16xf32>,
    %swap3A_177 = vector.shape_cast %swap3A_176 : vector<1x16xf32> to vector<16xf32>
    %swap3A_178 = vector.shape_cast %broadcast_in_dim3A_5 : vector<16xf32> to vector<1x16xf32>
    tpu.vector_store %arg5[%swap3A_174, %swap3A_175], %swap3A_178 {strides = array<i32>} : memref<102x768xf32, #tpu.memory_space<vmem>>, vector<1x16xf32>,
    %swap3A_179 = arith.constant 0 : i32
    %swap3A_180 = arith.index_cast %swap3A_179 : i32 to index
    %swap3A_181 = arith.constant 464 : index
    %swap3A_182 = tpu.vector_load %arg5[%swap3A_180, %swap3A_181] {strides = array<i32>} : memref<102x768xf32, #tpu.memory_space<vmem>>, vector<1x16xf32>,
    %swap3A_183 = vector.shape_cast %swap3A_182 : vector<1x16xf32> to vector<16xf32>
    %swap3A_184 = vector.shape_cast %broadcast_in_dim3A_5 : vector<16xf32> to vector<1x16xf32>
    tpu.vector_store %arg5[%swap3A_180, %swap3A_181], %swap3A_184 {strides = array<i32>} : memref<102x768xf32, #tpu.memory_space<vmem>>, vector<1x16xf32>,
    %swap3A_185 = arith.constant 0 : i32
    %swap3A_186 = arith.index_cast %swap3A_185 : i32 to index
    %swap3A_187 = arith.constant 480 : index
    %swap3A_188 = tpu.vector_load %arg5[%swap3A_186, %swap3A_187] {strides = array<i32>} : memref<102x768xf32, #tpu.memory_space<vmem>>, vector<1x16xf32>,
    %swap3A_189 = vector.shape_cast %swap3A_188 : vector<1x16xf32> to vector<16xf32>
    %swap3A_190 = vector.shape_cast %broadcast_in_dim3A_5 : vector<16xf32> to vector<1x16xf32>
    tpu.vector_store %arg5[%swap3A_186, %swap3A_187], %swap3A_190 {strides = array<i32>} : memref<102x768xf32, #tpu.memory_space<vmem>>, vector<1x16xf32>,
    %swap3A_191 = arith.constant 0 : i32
    %swap3A_192 = arith.index_cast %swap3A_191 : i32 to index
    %swap3A_193 = arith.constant 496 : index
    %swap3A_194 = tpu.vector_load %arg5[%swap3A_192, %swap3A_193] {strides = array<i32>} : memref<102x768xf32, #tpu.memory_space<vmem>>, vector<1x16xf32>,
    %swap3A_195 = vector.shape_cast %swap3A_194 : vector<1x16xf32> to vector<16xf32>
    %swap3A_196 = vector.shape_cast %broadcast_in_dim3A_5 : vector<16xf32> to vector<1x16xf32>
    tpu.vector_store %arg5[%swap3A_192, %swap3A_193], %swap3A_196 {strides = array<i32>} : memref<102x768xf32, #tpu.memory_space<vmem>>, vector<1x16xf32>,
    %swap3A_197 = arith.constant 0 : i32
    %swap3A_198 = arith.index_cast %swap3A_197 : i32 to index
    %swap3A_199 = arith.constant 512 : index
    %swap3A_200 = tpu.vector_load %arg5[%swap3A_198, %swap3A_199] {strides = array<i32>} : memref<102x768xf32, #tpu.memory_space<vmem>>, vector<1x16xf32>,
    %swap3A_201 = vector.shape_cast %swap3A_200 : vector<1x16xf32> to vector<16xf32>
    %swap3A_202 = vector.shape_cast %broadcast_in_dim3A_5 : vector<16xf32> to vector<1x16xf32>
    tpu.vector_store %arg5[%swap3A_198, %swap3A_199], %swap3A_202 {strides = array<i32>} : memref<102x768xf32, #tpu.memory_space<vmem>>, vector<1x16xf32>,
    %swap3A_203 = arith.constant 0 : i32
    %swap3A_204 = arith.index_cast %swap3A_203 : i32 to index
    %swap3A_205 = arith.constant 528 : index
    %swap3A_206 = tpu.vector_load %arg5[%swap3A_204, %swap3A_205] {strides = array<i32>} : memref<102x768xf32, #tpu.memory_space<vmem>>, vector<1x16xf32>,
    %swap3A_207 = vector.shape_cast %swap3A_206 : vector<1x16xf32> to vector<16xf32>
    %swap3A_208 = vector.shape_cast %broadcast_in_dim3A_5 : vector<16xf32> to vector<1x16xf32>
    tpu.vector_store %arg5[%swap3A_204, %swap3A_205], %swap3A_208 {strides = array<i32>} : memref<102x768xf32, #tpu.memory_space<vmem>>, vector<1x16xf32>,
    %swap3A_209 = arith.constant 0 : i32
    %swap3A_210 = arith.index_cast %swap3A_209 : i32 to index
    %swap3A_211 = arith.constant 544 : index
    %swap3A_212 = tpu.vector_load %arg5[%swap3A_210, %swap3A_211] {strides = array<i32>} : memref<102x768xf32, #tpu.memory_space<vmem>>, vector<1x16xf32>,
    %swap3A_213 = vector.shape_cast %swap3A_212 : vector<1x16xf32> to vector<16xf32>
    %swap3A_214 = vector.shape_cast %broadcast_in_dim3A_5 : vector<16xf32> to vector<1x16xf32>
    tpu.vector_store %arg5[%swap3A_210, %swap3A_211], %swap3A_214 {strides = array<i32>} : memref<102x768xf32, #tpu.memory_space<vmem>>, vector<1x16xf32>,
    %swap3A_215 = arith.constant 0 : i32
    %swap3A_216 = arith.index_cast %swap3A_215 : i32 to index
    %swap3A_217 = arith.constant 560 : index
    %swap3A_218 = tpu.vector_load %arg5[%swap3A_216, %swap3A_217] {strides = array<i32>} : memref<102x768xf32, #tpu.memory_space<vmem>>, vector<1x16xf32>,
    %swap3A_219 = vector.shape_cast %swap3A_218 : vector<1x16xf32> to vector<16xf32>
    %swap3A_220 = vector.shape_cast %broadcast_in_dim3A_5 : vector<16xf32> to vector<1x16xf32>
    tpu.vector_store %arg5[%swap3A_216, %swap3A_217], %swap3A_220 {strides = array<i32>} : memref<102x768xf32, #tpu.memory_space<vmem>>, vector<1x16xf32>,
    %swap3A_221 = arith.constant 0 : i32
    %swap3A_222 = arith.index_cast %swap3A_221 : i32 to index
    %swap3A_223 = arith.constant 576 : index
    %swap3A_224 = tpu.vector_load %arg5[%swap3A_222, %swap3A_223] {strides = array<i32>} : memref<102x768xf32, #tpu.memory_space<vmem>>, vector<1x16xf32>,
    %swap3A_225 = vector.shape_cast %swap3A_224 : vector<1x16xf32> to vector<16xf32>
    %swap3A_226 = vector.shape_cast %broadcast_in_dim3A_5 : vector<16xf32> to vector<1x16xf32>
    tpu.vector_store %arg5[%swap3A_222, %swap3A_223], %swap3A_226 {strides = array<i32>} : memref<102x768xf32, #tpu.memory_space<vmem>>, vector<1x16xf32>,
    %swap3A_227 = arith.constant 0 : i32
    %swap3A_228 = arith.index_cast %swap3A_227 : i32 to index
    %swap3A_229 = arith.constant 592 : index
    %swap3A_230 = tpu.vector_load %arg5[%swap3A_228, %swap3A_229] {strides = array<i32>} : memref<102x768xf32, #tpu.memory_space<vmem>>, vector<1x16xf32>,
    %swap3A_231 = vector.shape_cast %swap3A_230 : vector<1x16xf32> to vector<16xf32>
    %swap3A_232 = vector.shape_cast %broadcast_in_dim3A_5 : vector<16xf32> to vector<1x16xf32>
    tpu.vector_store %arg5[%swap3A_228, %swap3A_229], %swap3A_232 {strides = array<i32>} : memref<102x768xf32, #tpu.memory_space<vmem>>, vector<1x16xf32>,
    %swap3A_233 = arith.constant 0 : i32
    %swap3A_234 = arith.index_cast %swap3A_233 : i32 to index
    %swap3A_235 = arith.constant 608 : index
    %swap3A_236 = tpu.vector_load %arg5[%swap3A_234, %swap3A_235] {strides = array<i32>} : memref<102x768xf32, #tpu.memory_space<vmem>>, vector<1x16xf32>,
    %swap3A_237 = vector.shape_cast %swap3A_236 : vector<1x16xf32> to vector<16xf32>
    %swap3A_238 = vector.shape_cast %broadcast_in_dim3A_5 : vector<16xf32> to vector<1x16xf32>
    tpu.vector_store %arg5[%swap3A_234, %swap3A_235], %swap3A_238 {strides = array<i32>} : memref<102x768xf32, #tpu.memory_space<vmem>>, vector<1x16xf32>,
    %swap3A_239 = arith.constant 0 : i32
    %swap3A_240 = arith.index_cast %swap3A_239 : i32 to index
    %swap3A_241 = arith.constant 624 : index
    %swap3A_242 = tpu.vector_load %arg5[%swap3A_240, %swap3A_241] {strides = array<i32>} : memref<102x768xf32, #tpu.memory_space<vmem>>, vector<1x16xf32>,
    %swap3A_243 = vector.shape_cast %swap3A_242 : vector<1x16xf32> to vector<16xf32>
    %swap3A_244 = vector.shape_cast %broadcast_in_dim3A_5 : vector<16xf32> to vector<1x16xf32>
    tpu.vector_store %arg5[%swap3A_240, %swap3A_241], %swap3A_244 {strides = array<i32>} : memref<102x768xf32, #tpu.memory_space<vmem>>, vector<1x16xf32>,
    %swap3A_245 = arith.constant 0 : i32
    %swap3A_246 = arith.index_cast %swap3A_245 : i32 to index
    %swap3A_247 = arith.constant 640 : index
    %swap3A_248 = tpu.vector_load %arg5[%swap3A_246, %swap3A_247] {strides = array<i32>} : memref<102x768xf32, #tpu.memory_space<vmem>>, vector<1x16xf32>,
    %swap3A_249 = vector.shape_cast %swap3A_248 : vector<1x16xf32> to vector<16xf32>
    %swap3A_250 = vector.shape_cast %broadcast_in_dim3A_5 : vector<16xf32> to vector<1x16xf32>
    tpu.vector_store %arg5[%swap3A_246, %swap3A_247], %swap3A_250 {strides = array<i32>} : memref<102x768xf32, #tpu.memory_space<vmem>>, vector<1x16xf32>,
    %swap3A_251 = arith.constant 0 : i32
    %swap3A_252 = arith.index_cast %swap3A_251 : i32 to index
    %swap3A_253 = arith.constant 656 : index
    %swap3A_254 = tpu.vector_load %arg5[%swap3A_252, %swap3A_253] {strides = array<i32>} : memref<102x768xf32, #tpu.memory_space<vmem>>, vector<1x16xf32>,
    %swap3A_255 = vector.shape_cast %swap3A_254 : vector<1x16xf32> to vector<16xf32>
    %swap3A_256 = vector.shape_cast %broadcast_in_dim3A_5 : vector<16xf32> to vector<1x16xf32>
    tpu.vector_store %arg5[%swap3A_252, %swap3A_253], %swap3A_256 {strides = array<i32>} : memref<102x768xf32, #tpu.memory_space<vmem>>, vector<1x16xf32>,
    %swap3A_257 = arith.constant 0 : i32
    %swap3A_258 = arith.index_cast %swap3A_257 : i32 to index
    %swap3A_259 = arith.constant 672 : index
    %swap3A_260 = tpu.vector_load %arg5[%swap3A_258, %swap3A_259] {strides = array<i32>} : memref<102x768xf32, #tpu.memory_space<vmem>>, vector<1x16xf32>,
    %swap3A_261 = vector.shape_cast %swap3A_260 : vector<1x16xf32> to vector<16xf32>
    %swap3A_262 = vector.shape_cast %broadcast_in_dim3A_5 : vector<16xf32> to vector<1x16xf32>
    tpu.vector_store %arg5[%swap3A_258, %swap3A_259], %swap3A_262 {strides = array<i32>} : memref<102x768xf32, #tpu.memory_space<vmem>>, vector<1x16xf32>,
    %swap3A_263 = arith.constant 0 : i32
    %swap3A_264 = arith.index_cast %swap3A_263 : i32 to index
    %swap3A_265 = arith.constant 688 : index
    %swap3A_266 = tpu.vector_load %arg5[%swap3A_264, %swap3A_265] {strides = array<i32>} : memref<102x768xf32, #tpu.memory_space<vmem>>, vector<1x16xf32>,
    %swap3A_267 = vector.shape_cast %swap3A_266 : vector<1x16xf32> to vector<16xf32>
    %swap3A_268 = vector.shape_cast %broadcast_in_dim3A_5 : vector<16xf32> to vector<1x16xf32>
    tpu.vector_store %arg5[%swap3A_264, %swap3A_265], %swap3A_268 {strides = array<i32>} : memref<102x768xf32, #tpu.memory_space<vmem>>, vector<1x16xf32>,
    %swap3A_269 = arith.constant 0 : i32
    %swap3A_270 = arith.index_cast %swap3A_269 : i32 to index
    %swap3A_271 = arith.constant 704 : index
    %swap3A_272 = tpu.vector_load %arg5[%swap3A_270, %swap3A_271] {strides = array<i32>} : memref<102x768xf32, #tpu.memory_space<vmem>>, vector<1x16xf32>,
    %swap3A_273 = vector.shape_cast %swap3A_272 : vector<1x16xf32> to vector<16xf32>
    %swap3A_274 = vector.shape_cast %broadcast_in_dim3A_5 : vector<16xf32> to vector<1x16xf32>
    tpu.vector_store %arg5[%swap3A_270, %swap3A_271], %swap3A_274 {strides = array<i32>} : memref<102x768xf32, #tpu.memory_space<vmem>>, vector<1x16xf32>,
    %swap3A_275 = arith.constant 0 : i32
    %swap3A_276 = arith.index_cast %swap3A_275 : i32 to index
    %swap3A_277 = arith.constant 720 : index
    %swap3A_278 = tpu.vector_load %arg5[%swap3A_276, %swap3A_277] {strides = array<i32>} : memref<102x768xf32, #tpu.memory_space<vmem>>, vector<1x16xf32>,
    %swap3A_279 = vector.shape_cast %swap3A_278 : vector<1x16xf32> to vector<16xf32>
    %swap3A_280 = vector.shape_cast %broadcast_in_dim3A_5 : vector<16xf32> to vector<1x16xf32>
    tpu.vector_store %arg5[%swap3A_276, %swap3A_277], %swap3A_280 {strides = array<i32>} : memref<102x768xf32, #tpu.memory_space<vmem>>, vector<1x16xf32>,
    %swap3A_281 = arith.constant 0 : i32
    %swap3A_282 = arith.index_cast %swap3A_281 : i32 to index
    %swap3A_283 = arith.constant 736 : index
    %swap3A_284 = tpu.vector_load %arg5[%swap3A_282, %swap3A_283] {strides = array<i32>} : memref<102x768xf32, #tpu.memory_space<vmem>>, vector<1x16xf32>,
    %swap3A_285 = vector.shape_cast %swap3A_284 : vector<1x16xf32> to vector<16xf32>
    %swap3A_286 = vector.shape_cast %broadcast_in_dim3A_5 : vector<16xf32> to vector<1x16xf32>
    tpu.vector_store %arg5[%swap3A_282, %swap3A_283], %swap3A_286 {strides = array<i32>} : memref<102x768xf32, #tpu.memory_space<vmem>>, vector<1x16xf32>,
    %swap3A_287 = arith.constant 0 : i32
    %swap3A_288 = arith.index_cast %swap3A_287 : i32 to index
    %swap3A_289 = arith.constant 752 : index
    %swap3A_290 = tpu.vector_load %arg5[%swap3A_288, %swap3A_289] {strides = array<i32>} : memref<102x768xf32, #tpu.memory_space<vmem>>, vector<1x16xf32>,
    %swap3A_291 = vector.shape_cast %swap3A_290 : vector<1x16xf32> to vector<16xf32>
    %swap3A_292 = vector.shape_cast %broadcast_in_dim3A_5 : vector<16xf32> to vector<1x16xf32>
    tpu.vector_store %arg5[%swap3A_288, %swap3A_289], %swap3A_292 {strides = array<i32>} : memref<102x768xf32, #tpu.memory_space<vmem>>, vector<1x16xf32>,
    %scan3A = arith.constant 0 : i32
    %scan3A_293 = arith.constant 0 : i32
    %scan3A_294 = arith.constant 16 : i32
    %scan3A_295 = arith.addi %scan3A_293, %scan3A_294 : i32
    %scan3A_296 = arith.constant 1 : i32
    scf.for %scan3A_335 = %scan3A_293 to %scan3A_295 step %scan3A_296  : i32 {
      %mul3A_336 = arith.constant 2 : i32
      %mul3A_337 = arith.muli %scan3A_335, %mul3A_336 : i32
      %add3A_338 = arith.constant 0 : i32
      %add3A_339 = arith.addi %mul3A_337, %add3A_338 : i32
      %gt3A = arith.constant 0 : i32
      %gt3A_340 = arith.cmpi sgt, %scan3A_335, %gt3A : i32
      %convert_element_type3A = arith.extui %gt3A_340 : i1 to i32
      %cond3A = arith.constant 0 : i32
      %cond3A_341 = arith.cmpi ne, %convert_element_type3A, %cond3A : i32
      scf.if %cond3A_341 {
        %mul3A_402 = arith.constant 32 : i32
        %mul3A_403 = arith.muli %add3A, %mul3A_402 : i32
        %dma_wait3A_404 = arith.constant 0 : i32
        %dma_wait3A_405 = arith.constant 0 : i32
        %dma_wait3A_406 = arith.constant 0 : i32
        %dma_wait3A_407 = tpu.memref_slice %arg7[%dma_wait3A_404, %dma_wait3A_405, %dma_wait3A_406] : memref<2x20x768xf32, #tpu.memory_space<vmem>> -> memref<1x20x768xf32, #tpu.memory_space<vmem>>
        %dma_wait3A_408 = tpu.memref_squeeze %dma_wait3A_407 : memref<1x20x768xf32, #tpu.memory_space<vmem>> -> memref<20x768xf32, #tpu.memory_space<vmem>>
        %dma_wait3A_409 = arith.constant 0 : i32
        %dma_wait3A_410 = arith.constant 0 : i32
        %dma_wait3A_411 = tpu.memref_slice %arg4[%mul3A_403, %dma_wait3A_409, %dma_wait3A_410] : memref<1024x20x768xf32, #tpu.memory_space<hbm>> -> memref<1x20x768xf32, #tpu.memory_space<hbm>>
        %dma_wait3A_412 = tpu.memref_squeeze %dma_wait3A_411 : memref<1x20x768xf32, #tpu.memory_space<hbm>> -> memref<20x768xf32, #tpu.memory_space<hbm>>
        %dma_wait3A_413 = arith.constant 0 : i32
        %dma_wait3A_414 = arith.constant 0 : i32
        %dma_wait3A_415 = tpu.memref_slice %arg4[%mul3A_403, %dma_wait3A_413, %dma_wait3A_414] : memref<1024x20x768xf32, #tpu.memory_space<hbm>> -> memref<1x20x768xf32, #tpu.memory_space<hbm>>
        %dma_wait3A_416 = tpu.memref_squeeze %dma_wait3A_415 : memref<1x20x768xf32, #tpu.memory_space<hbm>> -> memref<20x768xf32, #tpu.memory_space<hbm>>
        %dma_wait3A_417 = arith.constant 0 : i32
        %dma_wait3A_418 = arith.constant 0 : i32
        %dma_wait3A_419 = tpu.memref_slice %arg7[%dma_wait3A_404, %dma_wait3A_417, %dma_wait3A_418] : memref<2x20x768xf32, #tpu.memory_space<vmem>> -> memref<1x20x768xf32, #tpu.memory_space<vmem>>
        %dma_wait3A_420 = tpu.memref_squeeze %dma_wait3A_419 : memref<1x20x768xf32, #tpu.memory_space<vmem>> -> memref<20x768xf32, #tpu.memory_space<vmem>>
        tpu.wait_dma2 semaphore(%arg8 : memref<!tpu.dma_semaphore, #tpu.memory_space<semaphore_mem>>) src(%dma_wait3A_420 : memref<20x768xf32, #tpu.memory_space<vmem>>) dst(%dma_wait3A_416 : memref<20x768xf32, #tpu.memory_space<hbm>>)
      } else {
      }
      %scan3A_342 = arith.constant 0 : i32
      %scan3A_343 = arith.constant 0 : i32
      %scan3A_344 = arith.constant 5 : i32
      %scan3A_345 = arith.addi %scan3A_343, %scan3A_344 : i32
      %scan3A_346 = arith.constant 1 : i32
      scf.for %scan3A_402 = %scan3A_343 to %scan3A_345 step %scan3A_346  : i32 {
        %mul3A_403 = arith.constant 20 : i32
        %mul3A_404 = arith.muli %add3A_339, %mul3A_403 : i32
        %mul3A_405 = arith.constant 4 : i32
        %mul3A_406 = arith.muli %scan3A_402, %mul3A_405 : i32
        %add3A_407 = arith.addi %mul3A_404, %mul3A_406 : i32
        %mul3A_408 = arith.constant 4 : i32
        %mul3A_409 = arith.muli %add3A_407, %mul3A_408 : i32
        %get3A = arith.index_cast %mul3A_409 : i32 to index
        %get3A_410 = tpu.vector_load %arg6[%get3A] {strides = array<i32>} : memref<2560xi32, #tpu.memory_space<vmem>>, vector<16xi32>,
        %get3A_411 = vector.shape_cast %get3A_410 : vector<16xi32> to vector<16xi32>
        %slice3A = vector.extract_strided_slice %get3A_411 {offsets = [0], sizes = [1], strides = [1]} : vector<16xi32> to vector<1xi32>
        %squeeze3A = vector.extract %slice3A[0] : i32 from vector<1xi32>
        %slice3A_412 = vector.extract_strided_slice %get3A_411 {offsets = [1], sizes = [1], strides = [1]} : vector<16xi32> to vector<1xi32>
        %squeeze3A_413 = vector.extract %slice3A_412[0] : i32 from vector<1xi32>
        %slice3A_414 = vector.extract_strided_slice %get3A_411 {offsets = [2], sizes = [1], strides = [1]} : vector<16xi32> to vector<1xi32>
        %squeeze3A_415 = vector.extract %slice3A_414[0] : i32 from vector<1xi32>
        %slice3A_416 = vector.extract_strided_slice %get3A_411 {offsets = [3], sizes = [1], strides = [1]} : vector<16xi32> to vector<1xi32>
        %squeeze3A_417 = vector.extract %slice3A_416[0] : i32 from vector<1xi32>
        %slice3A_418 = vector.extract_strided_slice %get3A_411 {offsets = [4], sizes = [1], strides = [1]} : vector<16xi32> to vector<1xi32>
        %squeeze3A_419 = vector.extract %slice3A_418[0] : i32 from vector<1xi32>
        %slice3A_420 = vector.extract_strided_slice %get3A_411 {offsets = [5], sizes = [1], strides = [1]} : vector<16xi32> to vector<1xi32>
        %squeeze3A_421 = vector.extract %slice3A_420[0] : i32 from vector<1xi32>
        %slice3A_422 = vector.extract_strided_slice %get3A_411 {offsets = [6], sizes = [1], strides = [1]} : vector<16xi32> to vector<1xi32>
        %squeeze3A_423 = vector.extract %slice3A_422[0] : i32 from vector<1xi32>
        %slice3A_424 = vector.extract_strided_slice %get3A_411 {offsets = [7], sizes = [1], strides = [1]} : vector<16xi32> to vector<1xi32>
        %squeeze3A_425 = vector.extract %slice3A_424[0] : i32 from vector<1xi32>
        %slice3A_426 = vector.extract_strided_slice %get3A_411 {offsets = [8], sizes = [1], strides = [1]} : vector<16xi32> to vector<1xi32>
        %squeeze3A_427 = vector.extract %slice3A_426[0] : i32 from vector<1xi32>
        %slice3A_428 = vector.extract_strided_slice %get3A_411 {offsets = [9], sizes = [1], strides = [1]} : vector<16xi32> to vector<1xi32>
        %squeeze3A_429 = vector.extract %slice3A_428[0] : i32 from vector<1xi32>
        %slice3A_430 = vector.extract_strided_slice %get3A_411 {offsets = [10], sizes = [1], strides = [1]} : vector<16xi32> to vector<1xi32>
        %squeeze3A_431 = vector.extract %slice3A_430[0] : i32 from vector<1xi32>
        %slice3A_432 = vector.extract_strided_slice %get3A_411 {offsets = [11], sizes = [1], strides = [1]} : vector<16xi32> to vector<1xi32>
        %squeeze3A_433 = vector.extract %slice3A_432[0] : i32 from vector<1xi32>
        %slice3A_434 = vector.extract_strided_slice %get3A_411 {offsets = [12], sizes = [1], strides = [1]} : vector<16xi32> to vector<1xi32>
        %squeeze3A_435 = vector.extract %slice3A_434[0] : i32 from vector<1xi32>
        %slice3A_436 = vector.extract_strided_slice %get3A_411 {offsets = [13], sizes = [1], strides = [1]} : vector<16xi32> to vector<1xi32>
        %squeeze3A_437 = vector.extract %slice3A_436[0] : i32 from vector<1xi32>
        %slice3A_438 = vector.extract_strided_slice %get3A_411 {offsets = [14], sizes = [1], strides = [1]} : vector<16xi32> to vector<1xi32>
        %squeeze3A_439 = vector.extract %slice3A_438[0] : i32 from vector<1xi32>
        %slice3A_440 = vector.extract_strided_slice %get3A_411 {offsets = [15], sizes = [1], strides = [1]} : vector<16xi32> to vector<1xi32>
        %squeeze3A_441 = vector.extract %slice3A_440[0] : i32 from vector<1xi32>
        %parallel_loop3A = arith.constant 0 : i32
        %parallel_loop3A_442 = arith.constant 48 : i32
        %parallel_loop3A_443 = arith.constant 1 : i32
        scf.for %parallel_loop3A_444 = %parallel_loop3A to %parallel_loop3A_442 step %parallel_loop3A_443  : i32 {
          %parallel_loop3A_445 = arith.constant 16 : i32
          %parallel_loop3A_446 = arith.muli %parallel_loop3A_444, %parallel_loop3A_445 : i32
          %parallel_loop3A_447 = arith.index_cast %squeeze3A : i32 to index
          %parallel_loop3A_448 = arith.index_cast %parallel_loop3A_446 : i32 to index
          %parallel_loop3A_449 = tpu.vector_load %arg5[%parallel_loop3A_447, %parallel_loop3A_448] {strides = array<i32>} : memref<102x768xf32, #tpu.memory_space<vmem>>, vector<1x16xf32>,
          %parallel_loop3A_450 = vector.shape_cast %parallel_loop3A_449 : vector<1x16xf32> to vector<16xf32>
          %parallel_loop3A_451 = arith.index_cast %squeeze3A_413 : i32 to index
          %parallel_loop3A_452 = arith.index_cast %parallel_loop3A_446 : i32 to index
          %parallel_loop3A_453 = tpu.vector_load %arg5[%parallel_loop3A_451, %parallel_loop3A_452] {strides = array<i32>} : memref<102x768xf32, #tpu.memory_space<vmem>>, vector<1x16xf32>,
          %parallel_loop3A_454 = vector.shape_cast %parallel_loop3A_453 : vector<1x16xf32> to vector<16xf32>
          %parallel_loop3A_455 = arith.maximumf %parallel_loop3A_450, %parallel_loop3A_454 : vector<16xf32>
          %parallel_loop3A_456 = arith.index_cast %squeeze3A_415 : i32 to index
          %parallel_loop3A_457 = arith.index_cast %parallel_loop3A_446 : i32 to index
          %parallel_loop3A_458 = tpu.vector_load %arg5[%parallel_loop3A_456, %parallel_loop3A_457] {strides = array<i32>} : memref<102x768xf32, #tpu.memory_space<vmem>>, vector<1x16xf32>,
          %parallel_loop3A_459 = vector.shape_cast %parallel_loop3A_458 : vector<1x16xf32> to vector<16xf32>
          %parallel_loop3A_460 = arith.index_cast %squeeze3A_417 : i32 to index
          %parallel_loop3A_461 = arith.index_cast %parallel_loop3A_446 : i32 to index
          %parallel_loop3A_462 = tpu.vector_load %arg5[%parallel_loop3A_460, %parallel_loop3A_461] {strides = array<i32>} : memref<102x768xf32, #tpu.memory_space<vmem>>, vector<1x16xf32>,
          %parallel_loop3A_463 = vector.shape_cast %parallel_loop3A_462 : vector<1x16xf32> to vector<16xf32>
          %parallel_loop3A_464 = arith.maximumf %parallel_loop3A_459, %parallel_loop3A_463 : vector<16xf32>
          %parallel_loop3A_465 = arith.maximumf %parallel_loop3A_455, %parallel_loop3A_464 : vector<16xf32>
          %parallel_loop3A_466 = arith.constant 4 : i32
          %parallel_loop3A_467 = arith.muli %scan3A_402, %parallel_loop3A_466 : i32
          %parallel_loop3A_468 = arith.constant 0 : i32
          %parallel_loop3A_469 = arith.addi %parallel_loop3A_467, %parallel_loop3A_468 : i32
          %parallel_loop3A_470 = arith.constant 0 : i32
          %parallel_loop3A_471 = arith.index_cast %parallel_loop3A_470 : i32 to index
          %parallel_loop3A_472 = arith.index_cast %parallel_loop3A_469 : i32 to index
          %parallel_loop3A_473 = arith.index_cast %parallel_loop3A_446 : i32 to index
          %parallel_loop3A_474 = tpu.vector_load %arg7[%parallel_loop3A_471, %parallel_loop3A_472, %parallel_loop3A_473] {strides = array<i32>} : memref<2x20x768xf32, #tpu.memory_space<vmem>>, vector<1x1x16xf32>,
          %parallel_loop3A_475 = vector.shape_cast %parallel_loop3A_474 : vector<1x1x16xf32> to vector<16xf32>
          %parallel_loop3A_476 = vector.shape_cast %parallel_loop3A_465 : vector<16xf32> to vector<1x1x16xf32>
          tpu.vector_store %arg7[%parallel_loop3A_471, %parallel_loop3A_472, %parallel_loop3A_473], %parallel_loop3A_476 {strides = array<i32>} : memref<2x20x768xf32, #tpu.memory_space<vmem>>, vector<1x1x16xf32>,
          %parallel_loop3A_477 = arith.index_cast %squeeze3A_419 : i32 to index
          %parallel_loop3A_478 = arith.index_cast %parallel_loop3A_446 : i32 to index
          %parallel_loop3A_479 = tpu.vector_load %arg5[%parallel_loop3A_477, %parallel_loop3A_478] {strides = array<i32>} : memref<102x768xf32, #tpu.memory_space<vmem>>, vector<1x16xf32>,
          %parallel_loop3A_480 = vector.shape_cast %parallel_loop3A_479 : vector<1x16xf32> to vector<16xf32>
          %parallel_loop3A_481 = arith.index_cast %squeeze3A_421 : i32 to index
          %parallel_loop3A_482 = arith.index_cast %parallel_loop3A_446 : i32 to index
          %parallel_loop3A_483 = tpu.vector_load %arg5[%parallel_loop3A_481, %parallel_loop3A_482] {strides = array<i32>} : memref<102x768xf32, #tpu.memory_space<vmem>>, vector<1x16xf32>,
          %parallel_loop3A_484 = vector.shape_cast %parallel_loop3A_483 : vector<1x16xf32> to vector<16xf32>
          %parallel_loop3A_485 = arith.maximumf %parallel_loop3A_480, %parallel_loop3A_484 : vector<16xf32>
          %parallel_loop3A_486 = arith.index_cast %squeeze3A_423 : i32 to index
          %parallel_loop3A_487 = arith.index_cast %parallel_loop3A_446 : i32 to index
          %parallel_loop3A_488 = tpu.vector_load %arg5[%parallel_loop3A_486, %parallel_loop3A_487] {strides = array<i32>} : memref<102x768xf32, #tpu.memory_space<vmem>>, vector<1x16xf32>,
          %parallel_loop3A_489 = vector.shape_cast %parallel_loop3A_488 : vector<1x16xf32> to vector<16xf32>
          %parallel_loop3A_490 = arith.index_cast %squeeze3A_425 : i32 to index
          %parallel_loop3A_491 = arith.index_cast %parallel_loop3A_446 : i32 to index
          %parallel_loop3A_492 = tpu.vector_load %arg5[%parallel_loop3A_490, %parallel_loop3A_491] {strides = array<i32>} : memref<102x768xf32, #tpu.memory_space<vmem>>, vector<1x16xf32>,
          %parallel_loop3A_493 = vector.shape_cast %parallel_loop3A_492 : vector<1x16xf32> to vector<16xf32>
          %parallel_loop3A_494 = arith.maximumf %parallel_loop3A_489, %parallel_loop3A_493 : vector<16xf32>
          %parallel_loop3A_495 = arith.maximumf %parallel_loop3A_485, %parallel_loop3A_494 : vector<16xf32>
          %parallel_loop3A_496 = arith.constant 4 : i32
          %parallel_loop3A_497 = arith.muli %scan3A_402, %parallel_loop3A_496 : i32
          %parallel_loop3A_498 = arith.constant 1 : i32
          %parallel_loop3A_499 = arith.addi %parallel_loop3A_497, %parallel_loop3A_498 : i32
          %parallel_loop3A_500 = arith.constant 0 : i32
          %parallel_loop3A_501 = arith.index_cast %parallel_loop3A_500 : i32 to index
          %parallel_loop3A_502 = arith.index_cast %parallel_loop3A_499 : i32 to index
          %parallel_loop3A_503 = arith.index_cast %parallel_loop3A_446 : i32 to index
          %parallel_loop3A_504 = tpu.vector_load %arg7[%parallel_loop3A_501, %parallel_loop3A_502, %parallel_loop3A_503] {strides = array<i32>} : memref<2x20x768xf32, #tpu.memory_space<vmem>>, vector<1x1x16xf32>,
          %parallel_loop3A_505 = vector.shape_cast %parallel_loop3A_504 : vector<1x1x16xf32> to vector<16xf32>
          %parallel_loop3A_506 = vector.shape_cast %parallel_loop3A_495 : vector<16xf32> to vector<1x1x16xf32>
          tpu.vector_store %arg7[%parallel_loop3A_501, %parallel_loop3A_502, %parallel_loop3A_503], %parallel_loop3A_506 {strides = array<i32>} : memref<2x20x768xf32, #tpu.memory_space<vmem>>, vector<1x1x16xf32>,
          %parallel_loop3A_507 = arith.index_cast %squeeze3A_427 : i32 to index
          %parallel_loop3A_508 = arith.index_cast %parallel_loop3A_446 : i32 to index
          %parallel_loop3A_509 = tpu.vector_load %arg5[%parallel_loop3A_507, %parallel_loop3A_508] {strides = array<i32>} : memref<102x768xf32, #tpu.memory_space<vmem>>, vector<1x16xf32>,
          %parallel_loop3A_510 = vector.shape_cast %parallel_loop3A_509 : vector<1x16xf32> to vector<16xf32>
          %parallel_loop3A_511 = arith.index_cast %squeeze3A_429 : i32 to index
          %parallel_loop3A_512 = arith.index_cast %parallel_loop3A_446 : i32 to index
          %parallel_loop3A_513 = tpu.vector_load %arg5[%parallel_loop3A_511, %parallel_loop3A_512] {strides = array<i32>} : memref<102x768xf32, #tpu.memory_space<vmem>>, vector<1x16xf32>,
          %parallel_loop3A_514 = vector.shape_cast %parallel_loop3A_513 : vector<1x16xf32> to vector<16xf32>
          %parallel_loop3A_515 = arith.maximumf %parallel_loop3A_510, %parallel_loop3A_514 : vector<16xf32>
          %parallel_loop3A_516 = arith.index_cast %squeeze3A_431 : i32 to index
          %parallel_loop3A_517 = arith.index_cast %parallel_loop3A_446 : i32 to index
          %parallel_loop3A_518 = tpu.vector_load %arg5[%parallel_loop3A_516, %parallel_loop3A_517] {strides = array<i32>} : memref<102x768xf32, #tpu.memory_space<vmem>>, vector<1x16xf32>,
          %parallel_loop3A_519 = vector.shape_cast %parallel_loop3A_518 : vector<1x16xf32> to vector<16xf32>
          %parallel_loop3A_520 = arith.index_cast %squeeze3A_433 : i32 to index
          %parallel_loop3A_521 = arith.index_cast %parallel_loop3A_446 : i32 to index
          %parallel_loop3A_522 = tpu.vector_load %arg5[%parallel_loop3A_520, %parallel_loop3A_521] {strides = array<i32>} : memref<102x768xf32, #tpu.memory_space<vmem>>, vector<1x16xf32>,
          %parallel_loop3A_523 = vector.shape_cast %parallel_loop3A_522 : vector<1x16xf32> to vector<16xf32>
          %parallel_loop3A_524 = arith.maximumf %parallel_loop3A_519, %parallel_loop3A_523 : vector<16xf32>
          %parallel_loop3A_525 = arith.maximumf %parallel_loop3A_515, %parallel_loop3A_524 : vector<16xf32>
          %parallel_loop3A_526 = arith.constant 4 : i32
          %parallel_loop3A_527 = arith.muli %scan3A_402, %parallel_loop3A_526 : i32
          %parallel_loop3A_528 = arith.constant 2 : i32
          %parallel_loop3A_529 = arith.addi %parallel_loop3A_527, %parallel_loop3A_528 : i32
          %parallel_loop3A_530 = arith.constant 0 : i32
          %parallel_loop3A_531 = arith.index_cast %parallel_loop3A_530 : i32 to index
          %parallel_loop3A_532 = arith.index_cast %parallel_loop3A_529 : i32 to index
          %parallel_loop3A_533 = arith.index_cast %parallel_loop3A_446 : i32 to index
          %parallel_loop3A_534 = tpu.vector_load %arg7[%parallel_loop3A_531, %parallel_loop3A_532, %parallel_loop3A_533] {strides = array<i32>} : memref<2x20x768xf32, #tpu.memory_space<vmem>>, vector<1x1x16xf32>,
          %parallel_loop3A_535 = vector.shape_cast %parallel_loop3A_534 : vector<1x1x16xf32> to vector<16xf32>
          %parallel_loop3A_536 = vector.shape_cast %parallel_loop3A_525 : vector<16xf32> to vector<1x1x16xf32>
          tpu.vector_store %arg7[%parallel_loop3A_531, %parallel_loop3A_532, %parallel_loop3A_533], %parallel_loop3A_536 {strides = array<i32>} : memref<2x20x768xf32, #tpu.memory_space<vmem>>, vector<1x1x16xf32>,
          %parallel_loop3A_537 = arith.index_cast %squeeze3A_435 : i32 to index
          %parallel_loop3A_538 = arith.index_cast %parallel_loop3A_446 : i32 to index
          %parallel_loop3A_539 = tpu.vector_load %arg5[%parallel_loop3A_537, %parallel_loop3A_538] {strides = array<i32>} : memref<102x768xf32, #tpu.memory_space<vmem>>, vector<1x16xf32>,
          %parallel_loop3A_540 = vector.shape_cast %parallel_loop3A_539 : vector<1x16xf32> to vector<16xf32>
          %parallel_loop3A_541 = arith.index_cast %squeeze3A_437 : i32 to index
          %parallel_loop3A_542 = arith.index_cast %parallel_loop3A_446 : i32 to index
          %parallel_loop3A_543 = tpu.vector_load %arg5[%parallel_loop3A_541, %parallel_loop3A_542] {strides = array<i32>} : memref<102x768xf32, #tpu.memory_space<vmem>>, vector<1x16xf32>,
          %parallel_loop3A_544 = vector.shape_cast %parallel_loop3A_543 : vector<1x16xf32> to vector<16xf32>
          %parallel_loop3A_545 = arith.maximumf %parallel_loop3A_540, %parallel_loop3A_544 : vector<16xf32>
          %parallel_loop3A_546 = arith.index_cast %squeeze3A_439 : i32 to index
          %parallel_loop3A_547 = arith.index_cast %parallel_loop3A_446 : i32 to index
          %parallel_loop3A_548 = tpu.vector_load %arg5[%parallel_loop3A_546, %parallel_loop3A_547] {strides = array<i32>} : memref<102x768xf32, #tpu.memory_space<vmem>>, vector<1x16xf32>,
          %parallel_loop3A_549 = vector.shape_cast %parallel_loop3A_548 : vector<1x16xf32> to vector<16xf32>
          %parallel_loop3A_550 = arith.index_cast %squeeze3A_441 : i32 to index
          %parallel_loop3A_551 = arith.index_cast %parallel_loop3A_446 : i32 to index
          %parallel_loop3A_552 = tpu.vector_load %arg5[%parallel_loop3A_550, %parallel_loop3A_551] {strides = array<i32>} : memref<102x768xf32, #tpu.memory_space<vmem>>, vector<1x16xf32>,
          %parallel_loop3A_553 = vector.shape_cast %parallel_loop3A_552 : vector<1x16xf32> to vector<16xf32>
          %parallel_loop3A_554 = arith.maximumf %parallel_loop3A_549, %parallel_loop3A_553 : vector<16xf32>
          %parallel_loop3A_555 = arith.maximumf %parallel_loop3A_545, %parallel_loop3A_554 : vector<16xf32>
          %parallel_loop3A_556 = arith.constant 4 : i32
          %parallel_loop3A_557 = arith.muli %scan3A_402, %parallel_loop3A_556 : i32
          %parallel_loop3A_558 = arith.constant 3 : i32
          %parallel_loop3A_559 = arith.addi %parallel_loop3A_557, %parallel_loop3A_558 : i32
          %parallel_loop3A_560 = arith.constant 0 : i32
          %parallel_loop3A_561 = arith.index_cast %parallel_loop3A_560 : i32 to index
          %parallel_loop3A_562 = arith.index_cast %parallel_loop3A_559 : i32 to index
          %parallel_loop3A_563 = arith.index_cast %parallel_loop3A_446 : i32 to index
          %parallel_loop3A_564 = tpu.vector_load %arg7[%parallel_loop3A_561, %parallel_loop3A_562, %parallel_loop3A_563] {strides = array<i32>} : memref<2x20x768xf32, #tpu.memory_space<vmem>>, vector<1x1x16xf32>,
          %parallel_loop3A_565 = vector.shape_cast %parallel_loop3A_564 : vector<1x1x16xf32> to vector<16xf32>
          %parallel_loop3A_566 = vector.shape_cast %parallel_loop3A_555 : vector<16xf32> to vector<1x1x16xf32>
          tpu.vector_store %arg7[%parallel_loop3A_561, %parallel_loop3A_562, %parallel_loop3A_563], %parallel_loop3A_566 {strides = array<i32>} : memref<2x20x768xf32, #tpu.memory_space<vmem>>, vector<1x1x16xf32>,
        } {sc.loop_unroll_factor = 4 : i64, sc.parallel_access}
      }
      %scan3A_347 = arith.constant 5 : i32
      %mul3A_348 = arith.constant 32 : i32
      %mul3A_349 = arith.muli %add3A, %mul3A_348 : i32
      %add3A_350 = arith.addi %mul3A_349, %add3A_339 : i32
      %dma_start3A = arith.constant 0 : i32
      %dma_start3A_351 = arith.constant 0 : i32
      %dma_start3A_352 = arith.constant 0 : i32
      %dma_start3A_353 = tpu.memref_slice %arg7[%dma_start3A, %dma_start3A_351, %dma_start3A_352] : memref<2x20x768xf32, #tpu.memory_space<vmem>> -> memref<1x20x768xf32, #tpu.memory_space<vmem>>
      %dma_start3A_354 = tpu.memref_squeeze %dma_start3A_353 : memref<1x20x768xf32, #tpu.memory_space<vmem>> -> memref<20x768xf32, #tpu.memory_space<vmem>>
      %dma_start3A_355 = arith.constant 0 : i32
      %dma_start3A_356 = arith.constant 0 : i32
      %dma_start3A_357 = tpu.memref_slice %arg4[%add3A_350, %dma_start3A_355, %dma_start3A_356] : memref<1024x20x768xf32, #tpu.memory_space<hbm>> -> memref<1x20x768xf32, #tpu.memory_space<hbm>>
      %dma_start3A_358 = tpu.memref_squeeze %dma_start3A_357 : memref<1x20x768xf32, #tpu.memory_space<hbm>> -> memref<20x768xf32, #tpu.memory_space<hbm>>
      %dma_start3A_359 = arith.constant 0 : i32
      %dma_start3A_360 = arith.constant 0 : i32
      %dma_start3A_361 = tpu.memref_slice %arg4[%add3A_350, %dma_start3A_359, %dma_start3A_360] : memref<1024x20x768xf32, #tpu.memory_space<hbm>> -> memref<1x20x768xf32, #tpu.memory_space<hbm>>
      %dma_start3A_362 = tpu.memref_squeeze %dma_start3A_361 : memref<1x20x768xf32, #tpu.memory_space<hbm>> -> memref<20x768xf32, #tpu.memory_space<hbm>>
      %dma_start3A_363 = arith.constant 0 : i32
      %dma_start3A_364 = arith.constant 0 : i32
      %dma_start3A_365 = tpu.memref_slice %arg7[%dma_start3A, %dma_start3A_363, %dma_start3A_364] : memref<2x20x768xf32, #tpu.memory_space<vmem>> -> memref<1x20x768xf32, #tpu.memory_space<vmem>>
      %dma_start3A_366 = tpu.memref_squeeze %dma_start3A_365 : memref<1x20x768xf32, #tpu.memory_space<vmem>> -> memref<20x768xf32, #tpu.memory_space<vmem>>
      tpu.enqueue_dma source(%dma_start3A_366 : memref<20x768xf32, #tpu.memory_space<vmem>>) target(%dma_start3A_362 : memref<20x768xf32, #tpu.memory_space<hbm>>) target_semaphore(%arg8 : memref<!tpu.dma_semaphore, #tpu.memory_space<semaphore_mem>>)
      %mul3A_367 = arith.constant 2 : i32
      %mul3A_368 = arith.muli %scan3A_335, %mul3A_367 : i32
      %add3A_369 = arith.constant 1 : i32
      %add3A_370 = arith.addi %mul3A_368, %add3A_369 : i32
      %gt3A_371 = arith.constant 0 : i32
      %gt3A_372 = arith.cmpi sgt, %scan3A_335, %gt3A_371 : i32
      %convert_element_type3A_373 = arith.extui %gt3A_372 : i1 to i32
      %cond3A_374 = arith.constant 0 : i32
      %cond3A_375 = arith.cmpi ne, %convert_element_type3A_373, %cond3A_374 : i32
      scf.if %cond3A_375 {
        %mul3A_402 = arith.constant 32 : i32
        %mul3A_403 = arith.muli %add3A, %mul3A_402 : i32
        %dma_wait3A_404 = arith.constant 1 : i32
        %dma_wait3A_405 = arith.constant 0 : i32
        %dma_wait3A_406 = arith.constant 0 : i32
        %dma_wait3A_407 = tpu.memref_slice %arg7[%dma_wait3A_404, %dma_wait3A_405, %dma_wait3A_406] : memref<2x20x768xf32, #tpu.memory_space<vmem>> -> memref<1x20x768xf32, #tpu.memory_space<vmem>>
        %dma_wait3A_408 = tpu.memref_squeeze %dma_wait3A_407 : memref<1x20x768xf32, #tpu.memory_space<vmem>> -> memref<20x768xf32, #tpu.memory_space<vmem>>
        %dma_wait3A_409 = arith.constant 0 : i32
        %dma_wait3A_410 = arith.constant 0 : i32
        %dma_wait3A_411 = tpu.memref_slice %arg4[%mul3A_403, %dma_wait3A_409, %dma_wait3A_410] : memref<1024x20x768xf32, #tpu.memory_space<hbm>> -> memref<1x20x768xf32, #tpu.memory_space<hbm>>
        %dma_wait3A_412 = tpu.memref_squeeze %dma_wait3A_411 : memref<1x20x768xf32, #tpu.memory_space<hbm>> -> memref<20x768xf32, #tpu.memory_space<hbm>>
        %dma_wait3A_413 = arith.constant 0 : i32
        %dma_wait3A_414 = arith.constant 0 : i32
        %dma_wait3A_415 = tpu.memref_slice %arg4[%mul3A_403, %dma_wait3A_413, %dma_wait3A_414] : memref<1024x20x768xf32, #tpu.memory_space<hbm>> -> memref<1x20x768xf32, #tpu.memory_space<hbm>>
        %dma_wait3A_416 = tpu.memref_squeeze %dma_wait3A_415 : memref<1x20x768xf32, #tpu.memory_space<hbm>> -> memref<20x768xf32, #tpu.memory_space<hbm>>
        %dma_wait3A_417 = arith.constant 0 : i32
        %dma_wait3A_418 = arith.constant 0 : i32
        %dma_wait3A_419 = tpu.memref_slice %arg7[%dma_wait3A_404, %dma_wait3A_417, %dma_wait3A_418] : memref<2x20x768xf32, #tpu.memory_space<vmem>> -> memref<1x20x768xf32, #tpu.memory_space<vmem>>
        %dma_wait3A_420 = tpu.memref_squeeze %dma_wait3A_419 : memref<1x20x768xf32, #tpu.memory_space<vmem>> -> memref<20x768xf32, #tpu.memory_space<vmem>>
        tpu.wait_dma2 semaphore(%arg9 : memref<!tpu.dma_semaphore, #tpu.memory_space<semaphore_mem>>) src(%dma_wait3A_420 : memref<20x768xf32, #tpu.memory_space<vmem>>) dst(%dma_wait3A_416 : memref<20x768xf32, #tpu.memory_space<hbm>>)
      } else {
      }
      %scan3A_376 = arith.constant 0 : i32
      %scan3A_377 = arith.constant 0 : i32
      %scan3A_378 = arith.constant 5 : i32
      %scan3A_379 = arith.addi %scan3A_377, %scan3A_378 : i32
      %scan3A_380 = arith.constant 1 : i32
      scf.for %scan3A_402 = %scan3A_377 to %scan3A_379 step %scan3A_380  : i32 {
        %mul3A_403 = arith.constant 20 : i32
        %mul3A_404 = arith.muli %add3A_370, %mul3A_403 : i32
        %mul3A_405 = arith.constant 4 : i32
        %mul3A_406 = arith.muli %scan3A_402, %mul3A_405 : i32
        %add3A_407 = arith.addi %mul3A_404, %mul3A_406 : i32
        %mul3A_408 = arith.constant 4 : i32
        %mul3A_409 = arith.muli %add3A_407, %mul3A_408 : i32
        %get3A = arith.index_cast %mul3A_409 : i32 to index
        %get3A_410 = tpu.vector_load %arg6[%get3A] {strides = array<i32>} : memref<2560xi32, #tpu.memory_space<vmem>>, vector<16xi32>,
        %get3A_411 = vector.shape_cast %get3A_410 : vector<16xi32> to vector<16xi32>
        %slice3A = vector.extract_strided_slice %get3A_411 {offsets = [0], sizes = [1], strides = [1]} : vector<16xi32> to vector<1xi32>
        %squeeze3A = vector.extract %slice3A[0] : i32 from vector<1xi32>
        %slice3A_412 = vector.extract_strided_slice %get3A_411 {offsets = [1], sizes = [1], strides = [1]} : vector<16xi32> to vector<1xi32>
        %squeeze3A_413 = vector.extract %slice3A_412[0] : i32 from vector<1xi32>
        %slice3A_414 = vector.extract_strided_slice %get3A_411 {offsets = [2], sizes = [1], strides = [1]} : vector<16xi32> to vector<1xi32>
        %squeeze3A_415 = vector.extract %slice3A_414[0] : i32 from vector<1xi32>
        %slice3A_416 = vector.extract_strided_slice %get3A_411 {offsets = [3], sizes = [1], strides = [1]} : vector<16xi32> to vector<1xi32>
        %squeeze3A_417 = vector.extract %slice3A_416[0] : i32 from vector<1xi32>
        %slice3A_418 = vector.extract_strided_slice %get3A_411 {offsets = [4], sizes = [1], strides = [1]} : vector<16xi32> to vector<1xi32>
        %squeeze3A_419 = vector.extract %slice3A_418[0] : i32 from vector<1xi32>
        %slice3A_420 = vector.extract_strided_slice %get3A_411 {offsets = [5], sizes = [1], strides = [1]} : vector<16xi32> to vector<1xi32>
        %squeeze3A_421 = vector.extract %slice3A_420[0] : i32 from vector<1xi32>
        %slice3A_422 = vector.extract_strided_slice %get3A_411 {offsets = [6], sizes = [1], strides = [1]} : vector<16xi32> to vector<1xi32>
        %squeeze3A_423 = vector.extract %slice3A_422[0] : i32 from vector<1xi32>
        %slice3A_424 = vector.extract_strided_slice %get3A_411 {offsets = [7], sizes = [1], strides = [1]} : vector<16xi32> to vector<1xi32>
        %squeeze3A_425 = vector.extract %slice3A_424[0] : i32 from vector<1xi32>
        %slice3A_426 = vector.extract_strided_slice %get3A_411 {offsets = [8], sizes = [1], strides = [1]} : vector<16xi32> to vector<1xi32>
        %squeeze3A_427 = vector.extract %slice3A_426[0] : i32 from vector<1xi32>
        %slice3A_428 = vector.extract_strided_slice %get3A_411 {offsets = [9], sizes = [1], strides = [1]} : vector<16xi32> to vector<1xi32>
        %squeeze3A_429 = vector.extract %slice3A_428[0] : i32 from vector<1xi32>
        %slice3A_430 = vector.extract_strided_slice %get3A_411 {offsets = [10], sizes = [1], strides = [1]} : vector<16xi32> to vector<1xi32>
        %squeeze3A_431 = vector.extract %slice3A_430[0] : i32 from vector<1xi32>
        %slice3A_432 = vector.extract_strided_slice %get3A_411 {offsets = [11], sizes = [1], strides = [1]} : vector<16xi32> to vector<1xi32>
        %squeeze3A_433 = vector.extract %slice3A_432[0] : i32 from vector<1xi32>
        %slice3A_434 = vector.extract_strided_slice %get3A_411 {offsets = [12], sizes = [1], strides = [1]} : vector<16xi32> to vector<1xi32>
        %squeeze3A_435 = vector.extract %slice3A_434[0] : i32 from vector<1xi32>
        %slice3A_436 = vector.extract_strided_slice %get3A_411 {offsets = [13], sizes = [1], strides = [1]} : vector<16xi32> to vector<1xi32>
        %squeeze3A_437 = vector.extract %slice3A_436[0] : i32 from vector<1xi32>
        %slice3A_438 = vector.extract_strided_slice %get3A_411 {offsets = [14], sizes = [1], strides = [1]} : vector<16xi32> to vector<1xi32>
        %squeeze3A_439 = vector.extract %slice3A_438[0] : i32 from vector<1xi32>
        %slice3A_440 = vector.extract_strided_slice %get3A_411 {offsets = [15], sizes = [1], strides = [1]} : vector<16xi32> to vector<1xi32>
        %squeeze3A_441 = vector.extract %slice3A_440[0] : i32 from vector<1xi32>
        %parallel_loop3A = arith.constant 0 : i32
        %parallel_loop3A_442 = arith.constant 48 : i32
        %parallel_loop3A_443 = arith.constant 1 : i32
        scf.for %parallel_loop3A_444 = %parallel_loop3A to %parallel_loop3A_442 step %parallel_loop3A_443  : i32 {
          %parallel_loop3A_445 = arith.constant 16 : i32
          %parallel_loop3A_446 = arith.muli %parallel_loop3A_444, %parallel_loop3A_445 : i32
          %parallel_loop3A_447 = arith.index_cast %squeeze3A : i32 to index
          %parallel_loop3A_448 = arith.index_cast %parallel_loop3A_446 : i32 to index
          %parallel_loop3A_449 = tpu.vector_load %arg5[%parallel_loop3A_447, %parallel_loop3A_448] {strides = array<i32>} : memref<102x768xf32, #tpu.memory_space<vmem>>, vector<1x16xf32>,
          %parallel_loop3A_450 = vector.shape_cast %parallel_loop3A_449 : vector<1x16xf32> to vector<16xf32>
          %parallel_loop3A_451 = arith.index_cast %squeeze3A_413 : i32 to index
          %parallel_loop3A_452 = arith.index_cast %parallel_loop3A_446 : i32 to index
          %parallel_loop3A_453 = tpu.vector_load %arg5[%parallel_loop3A_451, %parallel_loop3A_452] {strides = array<i32>} : memref<102x768xf32, #tpu.memory_space<vmem>>, vector<1x16xf32>,
          %parallel_loop3A_454 = vector.shape_cast %parallel_loop3A_453 : vector<1x16xf32> to vector<16xf32>
          %parallel_loop3A_455 = arith.maximumf %parallel_loop3A_450, %parallel_loop3A_454 : vector<16xf32>
          %parallel_loop3A_456 = arith.index_cast %squeeze3A_415 : i32 to index
          %parallel_loop3A_457 = arith.index_cast %parallel_loop3A_446 : i32 to index
          %parallel_loop3A_458 = tpu.vector_load %arg5[%parallel_loop3A_456, %parallel_loop3A_457] {strides = array<i32>} : memref<102x768xf32, #tpu.memory_space<vmem>>, vector<1x16xf32>,
          %parallel_loop3A_459 = vector.shape_cast %parallel_loop3A_458 : vector<1x16xf32> to vector<16xf32>
          %parallel_loop3A_460 = arith.index_cast %squeeze3A_417 : i32 to index
          %parallel_loop3A_461 = arith.index_cast %parallel_loop3A_446 : i32 to index
          %parallel_loop3A_462 = tpu.vector_load %arg5[%parallel_loop3A_460, %parallel_loop3A_461] {strides = array<i32>} : memref<102x768xf32, #tpu.memory_space<vmem>>, vector<1x16xf32>,
          %parallel_loop3A_463 = vector.shape_cast %parallel_loop3A_462 : vector<1x16xf32> to vector<16xf32>
          %parallel_loop3A_464 = arith.maximumf %parallel_loop3A_459, %parallel_loop3A_463 : vector<16xf32>
          %parallel_loop3A_465 = arith.maximumf %parallel_loop3A_455, %parallel_loop3A_464 : vector<16xf32>
          %parallel_loop3A_466 = arith.constant 4 : i32
          %parallel_loop3A_467 = arith.muli %scan3A_402, %parallel_loop3A_466 : i32
          %parallel_loop3A_468 = arith.constant 0 : i32
          %parallel_loop3A_469 = arith.addi %parallel_loop3A_467, %parallel_loop3A_468 : i32
          %parallel_loop3A_470 = arith.constant 1 : i32
          %parallel_loop3A_471 = arith.index_cast %parallel_loop3A_470 : i32 to index
          %parallel_loop3A_472 = arith.index_cast %parallel_loop3A_469 : i32 to index
          %parallel_loop3A_473 = arith.index_cast %parallel_loop3A_446 : i32 to index
          %parallel_loop3A_474 = tpu.vector_load %arg7[%parallel_loop3A_471, %parallel_loop3A_472, %parallel_loop3A_473] {strides = array<i32>} : memref<2x20x768xf32, #tpu.memory_space<vmem>>, vector<1x1x16xf32>,
          %parallel_loop3A_475 = vector.shape_cast %parallel_loop3A_474 : vector<1x1x16xf32> to vector<16xf32>
          %parallel_loop3A_476 = vector.shape_cast %parallel_loop3A_465 : vector<16xf32> to vector<1x1x16xf32>
          tpu.vector_store %arg7[%parallel_loop3A_471, %parallel_loop3A_472, %parallel_loop3A_473], %parallel_loop3A_476 {strides = array<i32>} : memref<2x20x768xf32, #tpu.memory_space<vmem>>, vector<1x1x16xf32>,
          %parallel_loop3A_477 = arith.index_cast %squeeze3A_419 : i32 to index
          %parallel_loop3A_478 = arith.index_cast %parallel_loop3A_446 : i32 to index
          %parallel_loop3A_479 = tpu.vector_load %arg5[%parallel_loop3A_477, %parallel_loop3A_478] {strides = array<i32>} : memref<102x768xf32, #tpu.memory_space<vmem>>, vector<1x16xf32>,
          %parallel_loop3A_480 = vector.shape_cast %parallel_loop3A_479 : vector<1x16xf32> to vector<16xf32>
          %parallel_loop3A_481 = arith.index_cast %squeeze3A_421 : i32 to index
          %parallel_loop3A_482 = arith.index_cast %parallel_loop3A_446 : i32 to index
          %parallel_loop3A_483 = tpu.vector_load %arg5[%parallel_loop3A_481, %parallel_loop3A_482] {strides = array<i32>} : memref<102x768xf32, #tpu.memory_space<vmem>>, vector<1x16xf32>,
          %parallel_loop3A_484 = vector.shape_cast %parallel_loop3A_483 : vector<1x16xf32> to vector<16xf32>
          %parallel_loop3A_485 = arith.maximumf %parallel_loop3A_480, %parallel_loop3A_484 : vector<16xf32>
          %parallel_loop3A_486 = arith.index_cast %squeeze3A_423 : i32 to index
          %parallel_loop3A_487 = arith.index_cast %parallel_loop3A_446 : i32 to index
          %parallel_loop3A_488 = tpu.vector_load %arg5[%parallel_loop3A_486, %parallel_loop3A_487] {strides = array<i32>} : memref<102x768xf32, #tpu.memory_space<vmem>>, vector<1x16xf32>,
          %parallel_loop3A_489 = vector.shape_cast %parallel_loop3A_488 : vector<1x16xf32> to vector<16xf32>
          %parallel_loop3A_490 = arith.index_cast %squeeze3A_425 : i32 to index
          %parallel_loop3A_491 = arith.index_cast %parallel_loop3A_446 : i32 to index
          %parallel_loop3A_492 = tpu.vector_load %arg5[%parallel_loop3A_490, %parallel_loop3A_491] {strides = array<i32>} : memref<102x768xf32, #tpu.memory_space<vmem>>, vector<1x16xf32>,
          %parallel_loop3A_493 = vector.shape_cast %parallel_loop3A_492 : vector<1x16xf32> to vector<16xf32>
          %parallel_loop3A_494 = arith.maximumf %parallel_loop3A_489, %parallel_loop3A_493 : vector<16xf32>
          %parallel_loop3A_495 = arith.maximumf %parallel_loop3A_485, %parallel_loop3A_494 : vector<16xf32>
          %parallel_loop3A_496 = arith.constant 4 : i32
          %parallel_loop3A_497 = arith.muli %scan3A_402, %parallel_loop3A_496 : i32
          %parallel_loop3A_498 = arith.constant 1 : i32
          %parallel_loop3A_499 = arith.addi %parallel_loop3A_497, %parallel_loop3A_498 : i32
          %parallel_loop3A_500 = arith.constant 1 : i32
          %parallel_loop3A_501 = arith.index_cast %parallel_loop3A_500 : i32 to index
          %parallel_loop3A_502 = arith.index_cast %parallel_loop3A_499 : i32 to index
          %parallel_loop3A_503 = arith.index_cast %parallel_loop3A_446 : i32 to index
          %parallel_loop3A_504 = tpu.vector_load %arg7[%parallel_loop3A_501, %parallel_loop3A_502, %parallel_loop3A_503] {strides = array<i32>} : memref<2x20x768xf32, #tpu.memory_space<vmem>>, vector<1x1x16xf32>,
          %parallel_loop3A_505 = vector.shape_cast %parallel_loop3A_504 : vector<1x1x16xf32> to vector<16xf32>
          %parallel_loop3A_506 = vector.shape_cast %parallel_loop3A_495 : vector<16xf32> to vector<1x1x16xf32>
          tpu.vector_store %arg7[%parallel_loop3A_501, %parallel_loop3A_502, %parallel_loop3A_503], %parallel_loop3A_506 {strides = array<i32>} : memref<2x20x768xf32, #tpu.memory_space<vmem>>, vector<1x1x16xf32>,
          %parallel_loop3A_507 = arith.index_cast %squeeze3A_427 : i32 to index
          %parallel_loop3A_508 = arith.index_cast %parallel_loop3A_446 : i32 to index
          %parallel_loop3A_509 = tpu.vector_load %arg5[%parallel_loop3A_507, %parallel_loop3A_508] {strides = array<i32>} : memref<102x768xf32, #tpu.memory_space<vmem>>, vector<1x16xf32>,
          %parallel_loop3A_510 = vector.shape_cast %parallel_loop3A_509 : vector<1x16xf32> to vector<16xf32>
          %parallel_loop3A_511 = arith.index_cast %squeeze3A_429 : i32 to index
          %parallel_loop3A_512 = arith.index_cast %parallel_loop3A_446 : i32 to index
          %parallel_loop3A_513 = tpu.vector_load %arg5[%parallel_loop3A_511, %parallel_loop3A_512] {strides = array<i32>} : memref<102x768xf32, #tpu.memory_space<vmem>>, vector<1x16xf32>,
          %parallel_loop3A_514 = vector.shape_cast %parallel_loop3A_513 : vector<1x16xf32> to vector<16xf32>
          %parallel_loop3A_515 = arith.maximumf %parallel_loop3A_510, %parallel_loop3A_514 : vector<16xf32>
          %parallel_loop3A_516 = arith.index_cast %squeeze3A_431 : i32 to index
          %parallel_loop3A_517 = arith.index_cast %parallel_loop3A_446 : i32 to index
          %parallel_loop3A_518 = tpu.vector_load %arg5[%parallel_loop3A_516, %parallel_loop3A_517] {strides = array<i32>} : memref<102x768xf32, #tpu.memory_space<vmem>>, vector<1x16xf32>,
          %parallel_loop3A_519 = vector.shape_cast %parallel_loop3A_518 : vector<1x16xf32> to vector<16xf32>
          %parallel_loop3A_520 = arith.index_cast %squeeze3A_433 : i32 to index
          %parallel_loop3A_521 = arith.index_cast %parallel_loop3A_446 : i32 to index
          %parallel_loop3A_522 = tpu.vector_load %arg5[%parallel_loop3A_520, %parallel_loop3A_521] {strides = array<i32>} : memref<102x768xf32, #tpu.memory_space<vmem>>, vector<1x16xf32>,
          %parallel_loop3A_523 = vector.shape_cast %parallel_loop3A_522 : vector<1x16xf32> to vector<16xf32>
          %parallel_loop3A_524 = arith.maximumf %parallel_loop3A_519, %parallel_loop3A_523 : vector<16xf32>
          %parallel_loop3A_525 = arith.maximumf %parallel_loop3A_515, %parallel_loop3A_524 : vector<16xf32>
          %parallel_loop3A_526 = arith.constant 4 : i32
          %parallel_loop3A_527 = arith.muli %scan3A_402, %parallel_loop3A_526 : i32
          %parallel_loop3A_528 = arith.constant 2 : i32
          %parallel_loop3A_529 = arith.addi %parallel_loop3A_527, %parallel_loop3A_528 : i32
          %parallel_loop3A_530 = arith.constant 1 : i32
          %parallel_loop3A_531 = arith.index_cast %parallel_loop3A_530 : i32 to index
          %parallel_loop3A_532 = arith.index_cast %parallel_loop3A_529 : i32 to index
          %parallel_loop3A_533 = arith.index_cast %parallel_loop3A_446 : i32 to index
          %parallel_loop3A_534 = tpu.vector_load %arg7[%parallel_loop3A_531, %parallel_loop3A_532, %parallel_loop3A_533] {strides = array<i32>} : memref<2x20x768xf32, #tpu.memory_space<vmem>>, vector<1x1x16xf32>,
          %parallel_loop3A_535 = vector.shape_cast %parallel_loop3A_534 : vector<1x1x16xf32> to vector<16xf32>
          %parallel_loop3A_536 = vector.shape_cast %parallel_loop3A_525 : vector<16xf32> to vector<1x1x16xf32>
          tpu.vector_store %arg7[%parallel_loop3A_531, %parallel_loop3A_532, %parallel_loop3A_533], %parallel_loop3A_536 {strides = array<i32>} : memref<2x20x768xf32, #tpu.memory_space<vmem>>, vector<1x1x16xf32>,
          %parallel_loop3A_537 = arith.index_cast %squeeze3A_435 : i32 to index
          %parallel_loop3A_538 = arith.index_cast %parallel_loop3A_446 : i32 to index
          %parallel_loop3A_539 = tpu.vector_load %arg5[%parallel_loop3A_537, %parallel_loop3A_538] {strides = array<i32>} : memref<102x768xf32, #tpu.memory_space<vmem>>, vector<1x16xf32>,
          %parallel_loop3A_540 = vector.shape_cast %parallel_loop3A_539 : vector<1x16xf32> to vector<16xf32>
          %parallel_loop3A_541 = arith.index_cast %squeeze3A_437 : i32 to index
          %parallel_loop3A_542 = arith.index_cast %parallel_loop3A_446 : i32 to index
          %parallel_loop3A_543 = tpu.vector_load %arg5[%parallel_loop3A_541, %parallel_loop3A_542] {strides = array<i32>} : memref<102x768xf32, #tpu.memory_space<vmem>>, vector<1x16xf32>,
          %parallel_loop3A_544 = vector.shape_cast %parallel_loop3A_543 : vector<1x16xf32> to vector<16xf32>
          %parallel_loop3A_545 = arith.maximumf %parallel_loop3A_540, %parallel_loop3A_544 : vector<16xf32>
          %parallel_loop3A_546 = arith.index_cast %squeeze3A_439 : i32 to index
          %parallel_loop3A_547 = arith.index_cast %parallel_loop3A_446 : i32 to index
          %parallel_loop3A_548 = tpu.vector_load %arg5[%parallel_loop3A_546, %parallel_loop3A_547] {strides = array<i32>} : memref<102x768xf32, #tpu.memory_space<vmem>>, vector<1x16xf32>,
          %parallel_loop3A_549 = vector.shape_cast %parallel_loop3A_548 : vector<1x16xf32> to vector<16xf32>
          %parallel_loop3A_550 = arith.index_cast %squeeze3A_441 : i32 to index
          %parallel_loop3A_551 = arith.index_cast %parallel_loop3A_446 : i32 to index
          %parallel_loop3A_552 = tpu.vector_load %arg5[%parallel_loop3A_550, %parallel_loop3A_551] {strides = array<i32>} : memref<102x768xf32, #tpu.memory_space<vmem>>, vector<1x16xf32>,
          %parallel_loop3A_553 = vector.shape_cast %parallel_loop3A_552 : vector<1x16xf32> to vector<16xf32>
          %parallel_loop3A_554 = arith.maximumf %parallel_loop3A_549, %parallel_loop3A_553 : vector<16xf32>
          %parallel_loop3A_555 = arith.maximumf %parallel_loop3A_545, %parallel_loop3A_554 : vector<16xf32>
          %parallel_loop3A_556 = arith.constant 4 : i32
          %parallel_loop3A_557 = arith.muli %scan3A_402, %parallel_loop3A_556 : i32
          %parallel_loop3A_558 = arith.constant 3 : i32
          %parallel_loop3A_559 = arith.addi %parallel_loop3A_557, %parallel_loop3A_558 : i32
          %parallel_loop3A_560 = arith.constant 1 : i32
          %parallel_loop3A_561 = arith.index_cast %parallel_loop3A_560 : i32 to index
          %parallel_loop3A_562 = arith.index_cast %parallel_loop3A_559 : i32 to index
          %parallel_loop3A_563 = arith.index_cast %parallel_loop3A_446 : i32 to index
          %parallel_loop3A_564 = tpu.vector_load %arg7[%parallel_loop3A_561, %parallel_loop3A_562, %parallel_loop3A_563] {strides = array<i32>} : memref<2x20x768xf32, #tpu.memory_space<vmem>>, vector<1x1x16xf32>,
          %parallel_loop3A_565 = vector.shape_cast %parallel_loop3A_564 : vector<1x1x16xf32> to vector<16xf32>
          %parallel_loop3A_566 = vector.shape_cast %parallel_loop3A_555 : vector<16xf32> to vector<1x1x16xf32>
          tpu.vector_store %arg7[%parallel_loop3A_561, %parallel_loop3A_562, %parallel_loop3A_563], %parallel_loop3A_566 {strides = array<i32>} : memref<2x20x768xf32, #tpu.memory_space<vmem>>, vector<1x1x16xf32>,
        } {sc.loop_unroll_factor = 4 : i64, sc.parallel_access}
      }
      %scan3A_381 = arith.constant 5 : i32
      %mul3A_382 = arith.constant 32 : i32
      %mul3A_383 = arith.muli %add3A, %mul3A_382 : i32
      %add3A_384 = arith.addi %mul3A_383, %add3A_370 : i32
      %dma_start3A_385 = arith.constant 1 : i32
      %dma_start3A_386 = arith.constant 0 : i32
      %dma_start3A_387 = arith.constant 0 : i32
      %dma_start3A_388 = tpu.memref_slice %arg7[%dma_start3A_385, %dma_start3A_386, %dma_start3A_387] : memref<2x20x768xf32, #tpu.memory_space<vmem>> -> memref<1x20x768xf32, #tpu.memory_space<vmem>>
      %dma_start3A_389 = tpu.memref_squeeze %dma_start3A_388 : memref<1x20x768xf32, #tpu.memory_space<vmem>> -> memref<20x768xf32, #tpu.memory_space<vmem>>
      %dma_start3A_390 = arith.constant 0 : i32
      %dma_start3A_391 = arith.constant 0 : i32
      %dma_start3A_392 = tpu.memref_slice %arg4[%add3A_384, %dma_start3A_390, %dma_start3A_391] : memref<1024x20x768xf32, #tpu.memory_space<hbm>> -> memref<1x20x768xf32, #tpu.memory_space<hbm>>
      %dma_start3A_393 = tpu.memref_squeeze %dma_start3A_392 : memref<1x20x768xf32, #tpu.memory_space<hbm>> -> memref<20x768xf32, #tpu.memory_space<hbm>>
      %dma_start3A_394 = arith.constant 0 : i32
      %dma_start3A_395 = arith.constant 0 : i32
      %dma_start3A_396 = tpu.memref_slice %arg4[%add3A_384, %dma_start3A_394, %dma_start3A_395] : memref<1024x20x768xf32, #tpu.memory_space<hbm>> -> memref<1x20x768xf32, #tpu.memory_space<hbm>>
      %dma_start3A_397 = tpu.memref_squeeze %dma_start3A_396 : memref<1x20x768xf32, #tpu.memory_space<hbm>> -> memref<20x768xf32, #tpu.memory_space<hbm>>
      %dma_start3A_398 = arith.constant 0 : i32
      %dma_start3A_399 = arith.constant 0 : i32
      %dma_start3A_400 = tpu.memref_slice %arg7[%dma_start3A_385, %dma_start3A_398, %dma_start3A_399] : memref<2x20x768xf32, #tpu.memory_space<vmem>> -> memref<1x20x768xf32, #tpu.memory_space<vmem>>
      %dma_start3A_401 = tpu.memref_squeeze %dma_start3A_400 : memref<1x20x768xf32, #tpu.memory_space<vmem>> -> memref<20x768xf32, #tpu.memory_space<vmem>>
      tpu.enqueue_dma source(%dma_start3A_401 : memref<20x768xf32, #tpu.memory_space<vmem>>) target(%dma_start3A_397 : memref<20x768xf32, #tpu.memory_space<hbm>>) target_semaphore(%arg9 : memref<!tpu.dma_semaphore, #tpu.memory_space<semaphore_mem>>)
    }
    %scan3A_297 = arith.constant 16 : i32
    %mul3A_298 = arith.constant 32 : i32
    %mul3A_299 = arith.muli %add3A, %mul3A_298 : i32
    %dma_wait3A = arith.constant 0 : i32
    %dma_wait3A_300 = arith.constant 0 : i32
    %dma_wait3A_301 = arith.constant 0 : i32
    %dma_wait3A_302 = tpu.memref_slice %arg7[%dma_wait3A, %dma_wait3A_300, %dma_wait3A_301] : memref<2x20x768xf32, #tpu.memory_space<vmem>> -> memref<1x20x768xf32, #tpu.memory_space<vmem>>
    %dma_wait3A_303 = tpu.memref_squeeze %dma_wait3A_302 : memref<1x20x768xf32, #tpu.memory_space<vmem>> -> memref<20x768xf32, #tpu.memory_space<vmem>>
    %dma_wait3A_304 = arith.constant 0 : i32
    %dma_wait3A_305 = arith.constant 0 : i32
    %dma_wait3A_306 = tpu.memref_slice %arg4[%mul3A_299, %dma_wait3A_304, %dma_wait3A_305] : memref<1024x20x768xf32, #tpu.memory_space<hbm>> -> memref<1x20x768xf32, #tpu.memory_space<hbm>>
    %dma_wait3A_307 = tpu.memref_squeeze %dma_wait3A_306 : memref<1x20x768xf32, #tpu.memory_space<hbm>> -> memref<20x768xf32, #tpu.memory_space<hbm>>
    %dma_wait3A_308 = arith.constant 0 : i32
    %dma_wait3A_309 = arith.constant 0 : i32
    %dma_wait3A_310 = tpu.memref_slice %arg4[%mul3A_299, %dma_wait3A_308, %dma_wait3A_309] : memref<1024x20x768xf32, #tpu.memory_space<hbm>> -> memref<1x20x768xf32, #tpu.memory_space<hbm>>
    %dma_wait3A_311 = tpu.memref_squeeze %dma_wait3A_310 : memref<1x20x768xf32, #tpu.memory_space<hbm>> -> memref<20x768xf32, #tpu.memory_space<hbm>>
    %dma_wait3A_312 = arith.constant 0 : i32
    %dma_wait3A_313 = arith.constant 0 : i32
    %dma_wait3A_314 = tpu.memref_slice %arg7[%dma_wait3A, %dma_wait3A_312, %dma_wait3A_313] : memref<2x20x768xf32, #tpu.memory_space<vmem>> -> memref<1x20x768xf32, #tpu.memory_space<vmem>>
    %dma_wait3A_315 = tpu.memref_squeeze %dma_wait3A_314 : memref<1x20x768xf32, #tpu.memory_space<vmem>> -> memref<20x768xf32, #tpu.memory_space<vmem>>
    tpu.wait_dma2 semaphore(%arg8 : memref<!tpu.dma_semaphore, #tpu.memory_space<semaphore_mem>>) src(%dma_wait3A_315 : memref<20x768xf32, #tpu.memory_space<vmem>>) dst(%dma_wait3A_311 : memref<20x768xf32, #tpu.memory_space<hbm>>)
    %mul3A_316 = arith.constant 32 : i32
    %mul3A_317 = arith.muli %add3A, %mul3A_316 : i32
    %dma_wait3A_318 = arith.constant 1 : i32
    %dma_wait3A_319 = arith.constant 0 : i32
    %dma_wait3A_320 = arith.constant 0 : i32
    %dma_wait3A_321 = tpu.memref_slice %arg7[%dma_wait3A_318, %dma_wait3A_319, %dma_wait3A_320] : memref<2x20x768xf32, #tpu.memory_space<vmem>> -> memref<1x20x768xf32, #tpu.memory_space<vmem>>
    %dma_wait3A_322 = tpu.memref_squeeze %dma_wait3A_321 : memref<1x20x768xf32, #tpu.memory_space<vmem>> -> memref<20x768xf32, #tpu.memory_space<vmem>>
    %dma_wait3A_323 = arith.constant 0 : i32
    %dma_wait3A_324 = arith.constant 0 : i32
    %dma_wait3A_325 = tpu.memref_slice %arg4[%mul3A_317, %dma_wait3A_323, %dma_wait3A_324] : memref<1024x20x768xf32, #tpu.memory_space<hbm>> -> memref<1x20x768xf32, #tpu.memory_space<hbm>>
    %dma_wait3A_326 = tpu.memref_squeeze %dma_wait3A_325 : memref<1x20x768xf32, #tpu.memory_space<hbm>> -> memref<20x768xf32, #tpu.memory_space<hbm>>
    %dma_wait3A_327 = arith.constant 0 : i32
    %dma_wait3A_328 = arith.constant 0 : i32
    %dma_wait3A_329 = tpu.memref_slice %arg4[%mul3A_317, %dma_wait3A_327, %dma_wait3A_328] : memref<1024x20x768xf32, #tpu.memory_space<hbm>> -> memref<1x20x768xf32, #tpu.memory_space<hbm>>
    %dma_wait3A_330 = tpu.memref_squeeze %dma_wait3A_329 : memref<1x20x768xf32, #tpu.memory_space<hbm>> -> memref<20x768xf32, #tpu.memory_space<hbm>>
    %dma_wait3A_331 = arith.constant 0 : i32
    %dma_wait3A_332 = arith.constant 0 : i32
    %dma_wait3A_333 = tpu.memref_slice %arg7[%dma_wait3A_318, %dma_wait3A_331, %dma_wait3A_332] : memref<2x20x768xf32, #tpu.memory_space<vmem>> -> memref<1x20x768xf32, #tpu.memory_space<vmem>>
    %dma_wait3A_334 = tpu.memref_squeeze %dma_wait3A_333 : memref<1x20x768xf32, #tpu.memory_space<vmem>> -> memref<20x768xf32, #tpu.memory_space<vmem>>
    tpu.wait_dma2 semaphore(%arg9 : memref<!tpu.dma_semaphore, #tpu.memory_space<semaphore_mem>>) src(%dma_wait3A_334 : memref<20x768xf32, #tpu.memory_space<vmem>>) dst(%dma_wait3A_330 : memref<20x768xf32, #tpu.memory_space<hbm>>)
    return
  }
}

</mosaic_0001>

<sc_bundles>
// kernel: _glyph.3.cloned.1.call-start
scs
__scs_entry_jumppad:
0x0: {  	(pc) =	sbr.rel $0x88, $3  }
0x1: {  	(tag) =	ssettag $0x0;
	lr =	simm.s32 $0x1  }
0x2: {  	[smem:$0x3F9F] =	sst lr;
	_ =	strace $0xD0000000  }
0x3: {  	_ = 	snop  }
0x4: {  	_ = 	snop  }
0x5: {  	_ = 	snop  }
0x6: {  	_ = 	snop  }
0x7: {  	_ = 	snop  }
__scs_overlays_trampoline_lowered:
0x8: {  	[smem:$0x3FAE] =	sst s0  }
0x9: {  	[smem:$0x3FAF] =	sst s1  }
0xa: {  	[smem:$0x3FB0] =	sst s2  }
0xb: {  	[smem:$0x3FB1] =	sst s3  }
0xc: {  	[smem:$0x3FB2] =	sst s4  }
0xd: {  	[smem:$0x3FB3] =	sst s5  }
0xe: {  	[smem:$0x3FB4] =	sst s6  }
0xf: {  	[smem:$0x3FB5] =	sst s7  }
0x10: {  	[smem:$0x3FB6] =	sst s8  }
0x11: {  	[smem:$0x3FB7] =	sst s9;
	s0 =	simm.s32 @!p0 $0x0  }
0x12: {  	s1 =	sld [smem:$0x3F9D];
	s0 =	simm.s32 @p0 $0x1  }
0x13: {  	[smem:$0x3FB8] =	sst s0;
	s0 =	simm.s32 @!p1 $0x0  }
0x14: {  	s2 =	sld [smem:$0x3F9C];
	s0 =	simm.s32 @p1 $0x1  }
0x15: {  	[smem:$0x3FB9] =	sst s0;
	s0 =	simm.s32 @!p2 $0x0  }
0x16: {  	s3 =	sld [smem:$0x3FDB];
	s0 =	simm.s32 @p2 $0x1  }
0x17: {  	s4 =	simm.s32 $0x1BF5;
	[smem:$0x3FBB] =	sst s0  }
0x18: {  	s0 =	sld [smem:$0x3F9E];
	_ =	swait.ge [sflag:s4], $0x0  }
0x19: {  	s7 =	sld [smem:$0x3F9F]  }
0x1a: {  	s8 =	sadd.s32 $0xFFFFE003, lr  }
0x1b: {  	s9 =	sadd.s32 $0xFFFFFEF7, lr;
	s5 =	simm.s32 $0xFFFFFFFF;
	p2 =	slt.u32 s8, $0xFFFFF086  }
0x1c: {  	p1 =	slt.u32 s9, $0xF7A;
	s5 =	simm.s32 @!p2 $0x0  }
0x1d: {  	s5 =	simm.s32 @p1 $0x1;
	p0 =	seq.s32 s7, s2  }
0x1e: {  	s7 =	smul.u32 @!p0 $0xF7A, s2;
	p2 =	seq.s32 @!p0 s5, $0x0  }
0x1f: {  	s9 =	smul.u32 $0xF7A, s1;
	s8 =	simm.s32 @!p0 $0x1BF5;
	p2 =	por !p2, p0  }
0x20: {  	[sflag:s8] =	ssyncset.s32 @!p0 $0xFFFFF086;
	s6 =	sadd.s32 @!p0 s3, s7;
	s7 =	simm.s32 @!p0 $0x108  }
0x21: {  	s3 =	sadd.s32 s3, s9;
	s6 =	sadd.s32 @!p0 $0x88, s6;
	s7 =	simm.s32 @p2 $0x1082  }
0x22: {  	[simem:s7], [sflag:s8] =	dma.local @!p0 [hbm:s6], $0xF7A  }
0x23: {  	s9 =	sor.u32 $0xD0000000, s2;
	s6 =	simm.s32 $0x108;
	_ =	swait.ge @!p0 [sflag:s8], $0x0  }
0x24: {  	s3 =	sadd.s32 $0x88, s3;
	s6 =	simm.s32 @!p1 $0x1082;
	[sflag:s4] =	ssyncset.s32 $0xFFFFF086  }
0x25: {  	[simem:s6], [sflag:s4] =	dma.local [hbm:s3], $0xF7A  }
0x26: {  	[smem:$0x3F9F] =	sst s1;
	(tag) =	ssettag s2;
	_ =	strace s9  }
0x27: {  	s1 =	sld [smem:$0x3FAF]  }
0x28: {  	s2 =	sld [smem:$0x3FB0]  }
0x29: {  	s4 =	sld [smem:$0x3FB2]  }
0x2a: {  	p0 =	seq.s32 s5, $0x0;
	s5 =	sld [smem:$0x3FB3]  }
0x2b: {  	s6 =	sld [smem:$0x3FB4]  }
0x2c: {  	s7 =	sld [smem:$0x3FB5]  }
0x2d: {  	s3 =	simm.s32 $0x108;
	s8 =	sld [smem:$0x3FB6]  }
0x2e: {  	s3 =	simm.s32 @!p0 $0x1082;
	s9 =	sld [smem:$0x3FB7]  }
0x2f: {  	lr =	sadd.s32 s0, s3;
	s0 =	sld [smem:$0x3FAE]  }
0x30: {  	s3 =	sld [smem:$0x3FB1]  }
0x31: {  	[smem:$0x3FBA] =	sst s10  }
0x32: {  	s10 =	sld [smem:$0x3FB8];
	_ =	sdelay $0x3  }
0x33: {  	p0 =	seq.s32 s10, $0x1;
	s10 =	sld [smem:$0x3FBA];
	_ =	sdelay $0x3  }
0x34: {  	[smem:$0x3FBA] =	sst s10  }
0x35: {  	s10 =	sld [smem:$0x3FB9];
	_ =	sdelay $0x3  }
0x36: {  	p1 =	seq.s32 s10, $0x1;
	s10 =	sld [smem:$0x3FBA];
	_ =	sdelay $0x3  }
0x37: {  	[smem:$0x3FBA] =	sst s10  }
0x38: {  	s10 =	sld [smem:$0x3FBB]  }
0x39: {  	_ = 	snop;
	(pc) =	sbr.ind lr, $3  }
0x3a: {  	_ = 	snop  }
0x3b: {  	_ = 	snop  }
0x3c: {  	p2 =	seq.s32 s10, $0x1;
	s10 =	sld [smem:$0x3FBA]  }
0x3d: {  	_ =	shalt  }
0x3e: {  	_ =	shalt  }
0x3f: {  	_ =	shalt  }
0x40: {  	_ =	shalt  }
0x41: {  	_ =	shalt  }
0x42: {  	_ =	shalt  }
0x43: {  	_ =	shalt  }
0x44: {  	_ =	shalt  }
0x45: {  	_ =	shalt  }
0x46: {  	_ =	shalt  }
0x47: {  	_ =	shalt  }
0x48: {  	_ =	shalt  }
0x49: {  	_ =	shalt  }
0x4a: {  	_ =	shalt  }
0x4b: {  	_ =	shalt  }
0x4c: {  	_ =	shalt  }
0x4d: {  	_ =	shalt  }
0x4e: {  	_ =	shalt  }
0x4f: {  	_ =	shalt  }
0x50: {  	_ =	shalt  }
0x51: {  	_ =	shalt  }
0x52: {  	_ =	shalt  }
0x53: {  	_ =	shalt  }
0x54: {  	_ =	shalt  }
0x55: {  	_ =	shalt  }
0x56: {  	_ =	shalt  }
0x57: {  	_ =	shalt  }
0x58: {  	_ =	shalt  }
0x59: {  	_ =	shalt  }
0x5a: {  	_ =	shalt  }
0x5b: {  	_ =	shalt  }
0x5c: {  	_ =	shalt  }
0x5d: {  	_ =	shalt  }
0x5e: {  	_ =	shalt  }
0x5f: {  	_ =	shalt  }
0x60: {  	_ =	shalt  }
0x61: {  	_ =	shalt  }
0x62: {  	_ =	shalt  }
0x63: {  	_ =	shalt  }
0x64: {  	_ =	shalt  }
0x65: {  	_ =	shalt  }
0x66: {  	_ =	shalt  }
0x67: {  	_ =	shalt  }
0x68: {  	_ =	shalt  }
0x69: {  	_ =	shalt  }
0x6a: {  	_ =	shalt  }
0x6b: {  	_ =	shalt  }
0x6c: {  	_ =	shalt  }
0x6d: {  	_ =	shalt  }
0x6e: {  	_ =	shalt  }
0x6f: {  	_ =	shalt  }
0x70: {  	_ =	shalt  }
0x71: {  	_ =	shalt  }
0x72: {  	_ =	shalt  }
0x73: {  	_ =	shalt  }
0x74: {  	_ =	shalt  }
0x75: {  	_ =	shalt  }
0x76: {  	_ =	shalt  }
0x77: {  	_ =	shalt  }
0x78: {  	_ =	shalt  }
0x79: {  	_ =	shalt  }
0x7a: {  	_ =	shalt  }
0x7b: {  	_ =	shalt  }
0x7c: {  	_ =	shalt  }
0x7d: {  	_ =	shalt  }
0x7e: {  	_ =	shalt  }
0x7f: {  	_ =	shalt  }
0x80: {  	_ =	shalt  }
0x81: {  	_ =	shalt  }
0x82: {  	_ =	shalt  }
0x83: {  	_ =	shalt  }
0x84: {  	_ =	shalt  }
0x85: {  	_ =	shalt  }
0x86: {  	_ =	shalt  }
0x87: {  	_ =	shalt  }
.Lfunc_end0:
.L_simem_size_0:
called_computation_lowered:
.L_overlay_start_0:
0x88: {  	s2 =	sld [smem:$0x3FD9]  }
0x89: {  	s3 =	sld [smem:$0x3FFE];
	_ =	sdelay $0x1  }
0x8a: {  	s1 =	srdreg.scid  }
0x8b: {  	s0 =	sand.u32 $0x1, s1  }
0x8c: {  	s17 =	sshll.u32 s0, $0xA;
	s2 =	sadd.s32 s3, s2  }
0x8d: {  	s2 =	sadd.s32 s2, s17  }
0x8e: {  	[smem:$0x3FC6] =	sst s2  }
0x8f: {  	_ = 	snop  }
0x90: {  	s2 =	sld [smem:$0x3FC9]  }
0x91: {  	s18 =	sld [smem:$0x3FC8];
	(tm) =	ssettm $0x1  }
0x92: {  	s4 =	sld [smem:$0x3FFB];
	_ =	sdelay $0x3  }
0x93: {  	_ =	strace s4  }
0x94: {  	s4 =	sld [smem:$0x3FFC];
	_ =	sdelay $0x3  }
0x95: {  	_ =	strace s4  }
0x96: {  	s4 =	sld [smem:$0x3FFD];
	_ =	sdelay $0x3  }
0x97: {  	_ =	strace s4  }
0x98: {  	_ =	strace $0x8FFFFFFF  }
0x99: {  	s19 =	sld [smem:$0x3FDB];
	_ =	sdelay $0x1  }
0x9a: {  	s5 =	simm.s32 $_scs_section_size  }
0x9b: {  	s6 =	simm.s32 $_size__tile_overlayer_lowered;
	s7 =	simm.s32 $_tile_overlayer_lowered  }
0x9c: {  	s22 =	simm.s32 $0x1BFF;
	s21 =	sshll.u32 s7, $0x1;
	s4 =	sadd.s32 s5, s19  }
0x9d: {  	s8 =	simm.s32 $0x0;
	s20 =	sshll.u32 s6, $0x1;
	s6 =	sadd.s32 s21, s4  }
0x9e: {  	[timem:s8], [sflag:s22] =	dma.local [hbm:s6], s20  }
0x9f: {  	_ =	swait.ge [sflag:s22], s20  }
0xa0: {  	s5 =	ssub.s32 $0x0, s20;
	[sflag:s22] =	ssyncset.done $0x0  }
0xa1: {  	[sflag:s22] =	ssyncadd.s32 s5;
	_ =	sdelay $0x1  }
0xa2: {  	s23 =	simm.s32 $0x1B8B  }
0xa3: {  	_ =	swait.ge [sflag:s23], $0x1  }
0xa4: {  	[sflag:s23] =	ssyncset.done $0x0  }
0xa5: {  	s25 =	simm.s32 $0x1B8E;
	s24 =	sld [smem:$0x3FFE];
	[sflag:s23] =	ssyncadd.s32 $0xFFFFFFFF  }
0xa6: {  	s26 =	simm.s32 $execute0_lowered;
	[smem:$0x3FD2] =	sst s25  }
0xa7: {  	s6 =	sshll.u32 s26, $0x1;
	_ =	strace $0x80000046;
	[dreg:$0x1] =	wrdreg $0xFFFFFFFF  }
0xa8: {  	s28 =	simm.s32 $_size_execute0_lowered;
	s4 =	sadd.s32 s4, s6;
	[dreg:$0x0] =	wrdreg $0x0  }
0xa9: {  	s6 =	sshll.u32 s28, $0x1;
	[dreg:$0x2] =	wrdreg s4  }
0xaa: {  	[dreg:$0x3] =	wrdreg s6  }
0xab: {  	[dreg:$0x4] =	wrdreg $0xC0  }
0xac: {  	_ =	task [dreg:s8], $0x5FFFF  }
0xad: {  	[dreg:$0x1] =	wrdreg $0xFFFFFFFF  }
0xae: {  	[dreg:$0x0] =	wrdreg $0x60  }
0xaf: {  	[dreg:$0x2] =	wrdreg s2  }
0xb0: {  	[dreg:$0x3] =	wrdreg s18  }
0xb1: {  	[dreg:$0x4] =	wrdreg s24  }
0xb2: {  	[dreg:$0x5] =	wrdreg $0x9  }
0xb3: {  	_ =	task.clear_ibuf [dreg:s8], $0x6FFFF;
	_ =	strace $0x90000046  }
0xb4: {  	s29 =	simm.s32 $0x9;
	_ =	strace $0x80000048  }
0xb5: {  	_ =	swait.ge [sflag:s29], $0x1  }
0xb6: {  	[sflag:s29] =	ssyncadd.s32 $0xFFFFFFFF  }
0xb7: {  	_ =	strace $0x90000048  }
0xb8: {  	_ =	sfence  }
0xb9: {  	s30 =	sld [smem:$0x0];
	_ =	sdelay $0x2  }
0xba: {  	s31 =	sshll.u32 s1, $0xD;
	s1 =	sshrl.u32 s1, $0x2  }
0xbb: {  	s3 =	sand.u32 $0x4000, s31;
	s1 =	sadd.s32 s1, s30  }
0xbc: {  	s0 =	sor.u32 s3, s0;
	s1 =	sshll.u32 s1, $0x11  }
0xbd: {  	s0 =	sor.u32 s1, s0  }
0xbe: {  	s0 =	sadd.s32 $0x8F2B, s0  }
0xbf: {  	[sflag:s0] =	ssyncadd.remote.s32 $0x1  }
0xc0: {  	_ =	sfence.sel $0xFFFF  }
0xc1: {  	[dreg:$0x0] =	wrdreg $0xFFFFFFFF;
	(pc) =	sbr.abs _section_cstart, $3  }
0xc2: {  	[dreg:$0x1] =	wrdreg $0xFFFFFFFF  }
0xc3: {  	_ =	task.clear_ibuf [dreg:s8], $0x2FFFF;
	_ =	strace $0x9FFFFFFF  }
0xc4: {  	(tm) =	ssettm $0x7FFFFFFF  }
0xc5: {  	_ =	shalt  }
tec
execute0_lowered:
.L_overlay_start_1:
0x0: {  	(tag) =	ssettag $0x1  }
0x1: {  	s0 =	rddreg [dreg:$0x0];
	s1 =	srdreg.scid  }
0x2: {  	s3 =	stileid.u32;
	s2 =	rddreg [dreg:$0x2]  }
0x3: {  	s4 =	simm.s32 $0x0;
	s1 =	sand.u32 $0x1, s1;
	s3 =	sshll.u32 s3, $0x1  }
0x4: {  	[smem:$0x7FF] =	sst s4;
	s2 =	sadd.s32 $0x400, s2;
	s3 =	sor.u32 s1, s3  }
0x5: {  	s1 =	ssub.s32 $0x2, s1;
	_ =	strace $0x80000047;
	s29 =	smul.u32 $0x140, s3  }
0x6: {  	[smem:$0x7FA] =	sst s2;
	s5 =	sshrl.u32 s1, $0x1;
	s30 =	sshll.u32 s3, $0x5  }
0x7: {  	s1 =	ssub.s32 s1, s5;
	[smem:$0x7FC] =	sst s30;
	s0 =	sadd.s32 s0, s29  }
0x8: {  	s31 =	smax.u32 s1, $0x1;
	[smem:$0x7FB] =	sst s0  }
0x9: {  	v0 =	vimm.f32 $0.0e+00;
	s2 =	simm.s32 $0x0;
	[smem:$0x7FD] =	sst s31  }
.LBB2_1:
0xa: {  	[smem:$0x7F9] =	sst s2  }
0xb: {  	s0 =	rddreg [dreg:$0x1];
	s1 =	simm.s32 $0x0;
	s30 =	simm.s32 $0x3  }
0xc: {  	[tilespmem:s1], [sflag:$0x3] =	stream.linear.gather [hbm4b:s0+s1], $0x13800, $0x38;
	[tilespmem:$0x1D200] =	vst v63  }
0xd: {  	_ =	swait.ge [sflag:s30], $0x13800  }
0xe: {  	s31 =	sld [smem:$0x7FB]  }
0xf: {  	[sflag:s30] =	ssyncset.done $0x0  }
0x10: {  	s3 =	simm.s32 $0x13800;
	[sflag:s30] =	ssyncadd.s32 $0xFFFEC800  }
0x11: {  	[tilespmem:s3], [sflag:$0x3] =	stream.linear.gather [hbm4b:s31+s1], $0xA00, $0x38;
	[tilespmem:$0x1D200] =	vst v63  }
0x12: {  	_ =	swait.ge [sflag:s30], $0xA00  }
0x13: {  	[sflag:s30] =	ssyncset.done $0x0  }
0x14: {  	[sflag:s30] =	ssyncadd.s32 $0xFFFFF600  }
0x15: {  	[tilespmem:$0x0] =	vst v0  }
0x16: {  	[tilespmem:$0x10] =	vst v0  }
0x17: {  	[tilespmem:$0x20] =	vst v0  }
0x18: {  	[tilespmem:$0x30] =	vst v0  }
0x19: {  	[tilespmem:$0x40] =	vst v0  }
0x1a: {  	[tilespmem:$0x50] =	vst v0  }
0x1b: {  	[tilespmem:$0x60] =	vst v0  }
0x1c: {  	[tilespmem:$0x70] =	vst v0  }
0x1d: {  	[tilespmem:$0x400] =	vst v0  }
0x1e: {  	[tilespmem:$0x410] =	vst v0  }
0x1f: {  	[tilespmem:$0x420] =	vst v0  }
0x20: {  	[tilespmem:$0x430] =	vst v0  }
0x21: {  	[tilespmem:$0x440] =	vst v0  }
0x22: {  	[tilespmem:$0x450] =	vst v0  }
0x23: {  	[tilespmem:$0x460] =	vst v0  }
0x24: {  	[tilespmem:$0x470] =	vst v0  }
0x25: {  	[tilespmem:$0x800] =	vst v0  }
0x26: {  	[tilespmem:$0x810] =	vst v0  }
0x27: {  	[tilespmem:$0x820] =	vst v0  }
0x28: {  	[tilespmem:$0x830] =	vst v0  }
0x29: {  	[tilespmem:$0x840] =	vst v0  }
0x2a: {  	[tilespmem:$0x850] =	vst v0  }
0x2b: {  	[tilespmem:$0x860] =	vst v0  }
0x2c: {  	[tilespmem:$0x870] =	vst v0  }
0x2d: {  	[tilespmem:$0xC00] =	vst v0  }
0x2e: {  	[tilespmem:$0xC10] =	vst v0  }
0x2f: {  	[tilespmem:$0xC20] =	vst v0  }
0x30: {  	[tilespmem:$0xC30] =	vst v0  }
0x31: {  	[tilespmem:$0xC40] =	vst v0  }
0x32: {  	[tilespmem:$0xC50] =	vst v0  }
0x33: {  	[tilespmem:$0xC60] =	vst v0  }
0x34: {  	[tilespmem:$0xC70] =	vst v0  }
0x35: {  	[tilespmem:$0x1000] =	vst v0  }
0x36: {  	[tilespmem:$0x1010] =	vst v0  }
0x37: {  	[tilespmem:$0x1020] =	vst v0  }
0x38: {  	[tilespmem:$0x1030] =	vst v0  }
0x39: {  	[tilespmem:$0x1040] =	vst v0  }
0x3a: {  	[tilespmem:$0x1050] =	vst v0  }
0x3b: {  	[tilespmem:$0x1060] =	vst v0  }
0x3c: {  	[tilespmem:$0x1070] =	vst v0  }
0x3d: {  	[tilespmem:$0x1400] =	vst v0  }
0x3e: {  	[tilespmem:$0x1410] =	vst v0  }
0x3f: {  	[tilespmem:$0x1420] =	vst v0  }
0x40: {  	[tilespmem:$0x1430] =	vst v0  }
0x41: {  	[tilespmem:$0x1440] =	vst v0  }
0x42: {  	[tilespmem:$0x1450] =	vst v0  }
0x43: {  	[tilespmem:$0x1460] =	vst v0  }
0x44: {  	s2 =	simm.s32 $0x0;
	[tilespmem:$0x1470] =	vst v0  }
.LBB2_2:
0x45: {  	p0 =	seq.s32 s2, $0x0;
	s0 =	smul.u32 $0x280, s2  }
0x46: {  	s1 =	simm.s32 @!p0 $0x1  }
0x47: {  	s31 =	sshll.u32 s2, $0x1;
	_ =	swait.ge @!p0 [sflag:s1], $0x4800;
	s0 =	sshra.s32 s0, $0x2  }
0x48: {  	[smem:$0x7F7] =	sst s2;
	[sflag:s1] =	ssyncset.done @!p0 $0x0;
	s0 =	sadd.s32 $0x13800, s0  }
0x49: {  	s17 =	simm.s32 $0x0;
	[smem:$0x7F8] =	sst s31;
	[sflag:s1] =	ssyncadd.s32 @!p0 $0xFFFFB800;
	v1 =	vmov s0  }
.LBB2_3:
0x4a: {  	_ =	sdelay $0x1  }
0x4b: {  	s0 =	sshll.u32 s17, $0x4  }
0x4c: {  	s0 =	sand.u32 $0x3FFFFFF0, s0  }
0x4d: {  	v2 =	vld.idx.msk [tilespmem:v1+s0+$0x0 ss:$0x1], $0xffff;
	_ =	sdelay $0x4  }
0x4e: {  	(v2sf) =	vpush v2, $0x0  }
0x4f: {  	(v2sf) =	vpush v2, $0x1  }
0x50: {  	(v2sf) =	vpush v2, $0x2;
	_ =	sdelay $0x1  }
0x51: {  	(v2sf) =	vpush v2, $0x3;
	_ =	sdelay $0x1  }
0x52: {  	(v2sf) =	vpush v2, $0x4  }
0x53: {  	(v2sf) =	vpush v2, $0x5;
	_ =	sdelay $0x2  }
0x54: {  	(v2sf) =	vpush v2, $0x6;
	_ =	sdelay $0x1  }
0x55: {  	(v2sf) =	vpush v2, $0x7;
	_ =	sdelay $0x1  }
0x56: {  	(v2sf) =	vpush v2, $0x8  }
0x57: {  	s22 =	spop (v2sf)  }
0x58: {  	[smem:$0x7F6] =	sst s17;
	s8 =	spop (v2sf)  }
0x59: {  	(v2sf) =	vpush v2, $0x9;
	s1 =	sshrl.u32 s22, $0x3;
	s0 =	sshll.u32 s22, $0x7;
	s9 =	spop (v2sf)  }
0x5a: {  	s1 =	smul.u32 $0x6000, s1;
	s0 =	sand.u32 $0x380, s0;
	s16 =	sshrl.u32 s8, $0x3  }
0x5b: {  	(v2sf) =	vpush v2, $0xA;
	s8 =	sshll.u32 s8, $0x7;
	s10 =	spop (v2sf);
	s16 =	smul.u32 $0x6000, s16  }
0x5c: {  	s8 =	sand.u32 $0x380, s8;
	s24 =	sshrl.u32 s9, $0x3;
	s18 =	sshll.u32 s9, $0x7  }
0x5d: {  	(v2sf) =	vpush v2, $0xB;
	s11 =	spop (v2sf);
	s15 =	sshra.s32 s1, $0x2;
	s25 =	smul.u32 $0x6000, s24  }
0x5e: {  	s26 =	sshrl.u32 s10, $0x3;
	s10 =	sshll.u32 s10, $0x7;
	s12 =	spop (v2sf)  }
0x5f: {  	(v2sf) =	vpush v2, $0xC;
	s15 =	sor.u32 s0, s15;
	s23 =	sshra.s32 s16, $0x2;
	s19 =	smul.u32 $0x6000, s26  }
0x60: {  	s10 =	sand.u32 $0x380, s10;
	s21 =	sshrl.u32 s11, $0x3;
	s22 =	sshll.u32 s11, $0x7  }
0x61: {  	s13 =	spop (v2sf);
	[dreg:$0x4] =	wrdreg s15;
	s8 =	sor.u32 s8, s23  }
0x62: {  	(v2sf) =	vpush v2, $0xD;
	s15 =	sshra.s32 s25, $0x2;
	s23 =	sshrl.u32 s12, $0x3;
	s24 =	sshll.u32 s12, $0x7  }
0x63: {  	s14 =	spop (v2sf);
	[dreg:$0x5] =	wrdreg s8;
	s8 =	sand.u32 $0x380, s18  }
0x64: {  	s9 =	sshra.s32 s19, $0x2;
	s11 =	smul.u32 $0x6000, s23;
	s25 =	sshrl.u32 s13, $0x3  }
0x65: {  	s7 =	spop (v2sf);
	s20 =	sor.u32 s10, s9;
	s9 =	smul.u32 $0x6000, s21  }
0x66: {  	(v2sf) =	vpush v2, $0xE;
	s8 =	sor.u32 s8, s15;
	s10 =	sand.u32 $0x380, s22;
	s12 =	smul.u32 $0x6000, s25  }
0x67: {  	s15 =	sshrl.u32 s14, $0x3;
	s19 =	sshll.u32 s14, $0x7;
	[dreg:$0x6] =	wrdreg s8  }
0x68: {  	(v2sf) =	vpush v2, $0xF;
	s6 =	spop (v2sf);
	[dreg:$0x7] =	wrdreg s20;
	s8 =	sshrl.u32 s17, $0x1  }
0x69: {  	s11 =	sshra.s32 s11, $0x2;
	s18 =	smul.u32 $0x6000, s15;
	s20 =	sshrl.u32 s7, $0x3  }
0x6a: {  	s7 =	sshll.u32 s7, $0x7;
	s5 =	spop (v2sf);
	s9 =	sshra.s32 s9, $0x2  }
0x6b: {  	s21 =	sshrl.u32 s6, $0x3;
	s7 =	sand.u32 $0x380, s7;
	s6 =	sshll.u32 s6, $0x7  }
0x6c: {  	s4 =	spop (v2sf);
	s9 =	sor.u32 s10, s9;
	s10 =	sand.u32 $0x380, s24  }
0x6d: {  	s6 =	sand.u32 $0x380, s6;
	s23 =	sshrl.u32 s5, $0x3;
	s5 =	sshll.u32 s5, $0x7  }
0x6e: {  	s3 =	spop (v2sf);
	[dreg:$0x8] =	wrdreg s9;
	s26 =	sor.u32 s10, s11  }
0x6f: {  	s11 =	sshll.u32 s13, $0x7;
	s13 =	sshra.s32 s12, $0x2;
	s9 =	sand.u32 $0x380, s19  }
0x70: {  	s24 =	smul.u32 $0x6000, s23;
	s25 =	sshrl.u32 s4, $0x3;
	s5 =	sand.u32 $0x380, s5  }
0x71: {  	s4 =	sshll.u32 s4, $0x7;
	s23 =	rddreg [dreg:$0x5];
	s2 =	spop (v2sf)  }
0x72: {  	s10 =	sand.u32 $0x380, s11;
	[dreg:$0x9] =	wrdreg s26;
	s11 =	smul.u32 $0x6000, s20  }
0x73: {  	s26 =	sshrl.u32 s3, $0x3;
	s4 =	sand.u32 $0x380, s4;
	s3 =	sshll.u32 s3, $0x7  }
0x74: {  	s16 =	sor.u32 s10, s13;
	s10 =	sshra.s32 s18, $0x2;
	s3 =	sand.u32 $0x380, s3  }
0x75: {  	s18 =	sshll.u32 s17, $0x9;
	s1 =	spop (v2sf);
	[dreg:$0xa] =	wrdreg s16  }
0x76: {  	s9 =	sor.u32 s9, s10;
	s11 =	sshra.s32 s11, $0x2;
	s10 =	smul.u32 $0x6000, s21  }
0x77: {  	s19 =	sand.u32 $0x200, s18;
	s0 =	spop (v2sf);
	[dreg:$0xb] =	wrdreg s9  }
0x78: {  	s7 =	sor.u32 s7, s11;
	s9 =	sshrl.u32 s2, $0x3;
	s11 =	smul.u32 $0x6000, s8  }
0x79: {  	s2 =	sshll.u32 s2, $0x7;
	s13 =	sshrl.u32 s1, $0x3;
	s1 =	sshll.u32 s1, $0x7  }
0x7a: {  	s22 =	sshra.s32 s10, $0x2;
	[dreg:$0xc] =	wrdreg s7;
	s10 =	smul.u32 $0x6000, s9  }
0x7b: {  	s7 =	sshra.s32 s24, $0x2;
	s2 =	sand.u32 $0x380, s2;
	s14 =	smul.u32 $0x6000, s13  }
0x7c: {  	s15 =	sshrl.u32 s0, $0x3;
	s1 =	sand.u32 $0x380, s1;
	s0 =	sshll.u32 s0, $0x7  }
0x7d: {  	s24 =	simm.s32 $0x0;
	s5 =	sor.u32 s5, s7;
	s7 =	smul.u32 $0x6000, s26  }
0x7e: {  	s6 =	sor.u32 s6, s22;
	s16 =	smul.u32 $0x6000, s15;
	s22 =	rddreg [dreg:$0x4]  }
0x7f: {  	s0 =	sand.u32 $0x380, s0;
	s20 =	sshra.s32 s11, $0x2;
	[dreg:$0xd] =	wrdreg s6  }
0x80: {  	s6 =	smul.u32 $0x6000, s25;
	[dreg:$0xe] =	wrdreg s5;
	s12 =	sshra.s32 s10, $0x2  }
0x81: {  	s21 =	sor.u32 s19, s20;
	s19 =	sand.u32 $0x40, s24;
	s24 =	sand.u32 $0x1C00, s24  }
0x82: {  	s25 =	rddreg [dreg:$0x6];
	s7 =	sshra.s32 s7, $0x2;
	s2 =	sor.u32 s2, s12  }
0x83: {  	s6 =	sshra.s32 s6, $0x2;
	s3 =	sor.u32 s3, s7;
	[dreg:$0x11] =	wrdreg s2  }
0x84: {  	s2 =	sshra.s32 s16, $0x2;
	s4 =	sor.u32 s4, s6;
	[dreg:$0x10] =	wrdreg s3  }
0x85: {  	s3 =	sshra.s32 s14, $0x2;
	s0 =	sor.u32 s0, s2;
	[dreg:$0xf] =	wrdreg s4  }
0x86: {  	s20 =	sor.u32 $0x30, s19;
	s1 =	sor.u32 s1, s3;
	[dreg:$0x13] =	wrdreg s0  }
0x87: {  	s6 =	sadd.s32 s24, s22;
	s0 =	sadd.s32 $0x14200, s21;
	[dreg:$0x12] =	wrdreg s1  }
0x88: {  	s2 =	sadd.s32 s24, s23;
	s4 =	sadd.s32 s20, s6;
	[dreg:$0x14] =	wrdreg s0  }
0x89: {  	s26 =	rddreg [dreg:$0x7];
	s3 =	sadd.s32 s24, s25;
	s5 =	sadd.s32 s20, s2;
	v2 =	vld [tilespmem:s4+$0x0]  }
0x8a: {  	s7 =	sadd.s32 s24, s26;
	s8 =	sadd.s32 s20, s3;
	v3 =	vld [tilespmem:s5+$0x0]  }
0x8b: {  	s9 =	sadd.s32 s20, s7;
	v4 =	vld [tilespmem:s8+$0x0]  }
0x8c: {  	s10 =	sadd.s32 s19, s6;
	v5 =	vld [tilespmem:s9+$0x0]  }
0x8d: {  	s11 =	sadd.s32 s19, s2;
	v6 =	vld [tilespmem:s10+$0x0]  }
0x8e: {  	s12 =	sadd.s32 s19, s3;
	v7 =	vld [tilespmem:s11+$0x0]  }
0x8f: {  	s14 =	sadd.s32 s19, s7;
	v8 =	vld [tilespmem:s12+$0x0]  }
0x90: {  	v9 =	vld [tilespmem:s14+$0x0]  }
0x91: {  	s18 =	rddreg [dreg:$0x9];
	s21 =	sor.u32 $0x10, s19  }
0x92: {  	s15 =	rddreg [dreg:$0x8];
	s16 =	sadd.s32 s21, s6  }
0x93: {  	s17 =	sadd.s32 s21, s2;
	s13 =	rddreg [dreg:$0x14];
	v10 =	vld [tilespmem:s16+$0x0]  }
0x94: {  	s26 =	rddreg [dreg:$0xb];
	s23 =	sadd.s32 s21, s3;
	s22 =	sadd.s32 s24, s13;
	v2 =	vmax.f32 v2, v3;
	v3 =	vmax.f32 v4, v5;
	v4 =	vld [tilespmem:s17+$0x0]  }
0x95: {  	s4 =	sadd.s32 s24, s15;
	s16 =	sadd.s32 s21, s7;
	s8 =	sadd.s32 s20, s22;
	v6 =	vmax.f32 v6, v7;
	v7 =	vmax.f32 v8, v9;
	v2 =	vmax.f32 v2, v3;
	v3 =	vld [tilespmem:s23+$0x0]  }
0x96: {  	s25 =	rddreg [dreg:$0xa];
	s0 =	sadd.s32 s24, s18;
	s12 =	sadd.s32 s20, s4;
	v6 =	vmax.f32 v6, v7;
	v7 =	vld [tilespmem:s16+$0x0];
	[tilespmem:s8+$0x0] =	vst v2  }
0x97: {  	s1 =	sadd.s32 s24, s25;
	s13 =	sadd.s32 s20, s0;
	v2 =	vld [tilespmem:s12+$0x0]  }
0x98: {  	s5 =	sadd.s32 s24, s26;
	s14 =	sadd.s32 s20, s1;
	v5 =	vld [tilespmem:s13+$0x0]  }
0x99: {  	s15 =	sadd.s32 s20, s5;
	s23 =	sor.u32 $0x20, s19;
	v11 =	vld [tilespmem:s14+$0x0]  }
0x9a: {  	s17 =	sadd.s32 s19, s22;
	s6 =	sadd.s32 s23, s6;
	v8 =	vld [tilespmem:s15+$0x0]  }
0x9b: {  	s2 =	sadd.s32 s23, s2;
	[tilespmem:s17+$0x0] =	vst v6;
	v6 =	vld [tilespmem:s6+$0x0]  }
0x9c: {  	s3 =	sadd.s32 s23, s3;
	v49 =	vld [tilespmem:s2+$0x0]  }
0x9d: {  	s7 =	sadd.s32 s23, s7;
	v12 =	vld [tilespmem:s3+$0x0]  }
0x9e: {  	v13 =	vld [tilespmem:s7+$0x0]  }
0x9f: {  	s18 =	rddreg [dreg:$0xc]  }
0xa0: {  	s26 =	rddreg [dreg:$0xd]  }
0xa1: {  	s10 =	sadd.s32 s19, s0;
	s25 =	sadd.s32 s19, s4;
	s11 =	rddreg [dreg:$0xe];
	v4 =	vmax.f32 v10, v4;
	v3 =	vmax.f32 v3, v7  }
0xa2: {  	s2 =	sadd.s32 $0x80, s22;
	s12 =	rddreg [dreg:$0xf];
	s7 =	sadd.s32 s24, s18;
	v3 =	vmax.f32 v4, v3;
	v2 =	vmax.f32 v2, v5;
	v5 =	vmax.f32 v11, v8;
	v8 =	vld [tilespmem:s25+$0x0]  }
0xa3: {  	s9 =	sadd.s32 s24, s11;
	s18 =	sadd.s32 s21, s22;
	s11 =	sadd.s32 s19, s1;
	v4 =	vmax.f32 v6, v49;
	v6 =	vmax.f32 v12, v13;
	v2 =	vmax.f32 v2, v5;
	v5 =	vld [tilespmem:s10+$0x0]  }
0xa4: {  	s13 =	sadd.s32 s20, s2;
	s8 =	sadd.s32 s24, s12;
	s12 =	sadd.s32 s21, s0;
	[tilespmem:s18+$0x0] =	vst v3;
	v3 =	vmax.f32 v4, v6;
	v4 =	vld [tilespmem:s11+$0x0]  }
0xa5: {  	s3 =	sadd.s32 s24, s26;
	s26 =	sadd.s32 s19, s5;
	s25 =	sadd.s32 s23, s22;
	v52 =	vld [tilespmem:s12+$0x0];
	[tilespmem:s13+$0x0] =	vst v2  }
0xa6: {  	s14 =	sadd.s32 s20, s7;
	[tilespmem:s25+$0x0] =	vst v3;
	v3 =	vld [tilespmem:s26+$0x0]  }
0xa7: {  	s15 =	sadd.s32 s20, s3;
	v2 =	vld [tilespmem:s14+$0x0]  }
0xa8: {  	s16 =	sadd.s32 s20, s9;
	v50 =	vld [tilespmem:s15+$0x0]  }
0xa9: {  	s17 =	sadd.s32 s20, s8;
	v7 =	vld [tilespmem:s16+$0x0]  }
0xaa: {  	s11 =	sadd.s32 s21, s4;
	v51 =	vld [tilespmem:s17+$0x0]  }
0xab: {  	s0 =	sadd.s32 s23, s0;
	v6 =	vld [tilespmem:s11+$0x0];
	s13 =	rddreg [dreg:$0x10]  }
0xac: {  	s14 =	sadd.s32 s21, s1;
	s16 =	rddreg [dreg:$0x11];
	v15 =	vld [tilespmem:s0+$0x0]  }
0xad: {  	s15 =	sadd.s32 s21, s5;
	s18 =	rddreg [dreg:$0x12];
	v53 =	vld [tilespmem:s14+$0x0]  }
0xae: {  	s17 =	sadd.s32 s23, s4;
	v54 =	vld [tilespmem:s15+$0x0];
	s6 =	sadd.s32 s24, s18;
	s18 =	sadd.s32 s23, s1;
	v5 =	vmax.f32 v8, v5  }
0xaf: {  	s25 =	rddreg [dreg:$0x13];
	s4 =	sadd.s32 s24, s13;
	s10 =	sadd.s32 s24, s16;
	v3 =	vmax.f32 v4, v3;
	v4 =	vld [tilespmem:s18+$0x0];
	v2 =	vmax.f32 v2, v50;
	v7 =	vmax.f32 v7, v51  }
0xb0: {  	s11 =	sadd.s32 s24, s25;
	s24 =	sadd.s32 s23, s5;
	s25 =	sadd.s32 s19, s2;
	v3 =	vmax.f32 v5, v3;
	v2 =	vmax.f32 v2, v7;
	v7 =	vld [tilespmem:s17+$0x0]  }
0xb1: {  	s12 =	sadd.s32 $0x100, s22;
	s5 =	sadd.s32 s19, s3;
	[tilespmem:s25+$0x0] =	vst v3;
	v3 =	vld [tilespmem:s24+$0x0]  }
0xb2: {  	s26 =	sadd.s32 s20, s12;
	s13 =	sadd.s32 s19, s9;
	v57 =	vld [tilespmem:s5+$0x0]  }
0xb3: {  	s14 =	sadd.s32 s20, s4;
	[tilespmem:s26+$0x0] =	vst v2;
	v58 =	vld [tilespmem:s13+$0x0]  }
0xb4: {  	s15 =	sadd.s32 s20, s10;
	v2 =	vld [tilespmem:s14+$0x0]  }
0xb5: {  	s16 =	sadd.s32 s20, s6;
	v55 =	vld [tilespmem:s15+$0x0]  }
0xb6: {  	s17 =	sadd.s32 s20, s11;
	v56 =	vld [tilespmem:s16+$0x0]  }
0xb7: {  	v6 =	vmax.f32 v6, v52;
	v8 =	vmax.f32 v53, v54;
	s26 =	sadd.s32 s19, s7;
	v14 =	vld [tilespmem:s17+$0x0]  }
0xb8: {  	v6 =	vmax.f32 v6, v8;
	v5 =	vld [tilespmem:s26+$0x0];
	s14 =	sadd.s32 s21, s2;
	s15 =	sadd.s32 s19, s8  }
0xb9: {  	s16 =	sadd.s32 s21, s7;
	[tilespmem:s14+$0x0] =	vst v6;
	v6 =	vld [tilespmem:s15+$0x0]  }
0xba: {  	s17 =	sadd.s32 s21, s3;
	v8 =	vld [tilespmem:s16+$0x0]  }
0xbb: {  	s18 =	sadd.s32 s21, s9;
	v59 =	vld [tilespmem:s17+$0x0];
	v7 =	vmax.f32 v7, v15;
	v3 =	vmax.f32 v4, v3  }
0xbc: {  	s24 =	sadd.s32 s23, s2;
	s25 =	sadd.s32 s21, s8;
	v4 =	vld [tilespmem:s18+$0x0];
	v3 =	vmax.f32 v7, v3  }
0xbd: {  	s26 =	sadd.s32 s23, s7;
	[tilespmem:s24+$0x0] =	vst v3;
	v3 =	vld [tilespmem:s25+$0x0]  }
0xbe: {  	s1 =	sadd.s32 s23, s3;
	v7 =	vld [tilespmem:s26+$0x0]  }
0xbf: {  	s3 =	sadd.s32 s23, s9;
	v5 =	vmax.f32 v5, v57;
	v6 =	vmax.f32 v58, v6;
	v60 =	vld [tilespmem:s1+$0x0]  }
0xc0: {  	s5 =	sadd.s32 s23, s8;
	s7 =	sadd.s32 s19, s12;
	v5 =	vmax.f32 v5, v6;
	v6 =	vld [tilespmem:s3+$0x0]  }
0xc1: {  	s8 =	sadd.s32 s19, s4;
	[tilespmem:s7+$0x0] =	vst v5;
	v5 =	vld [tilespmem:s5+$0x0]  }
0xc2: {  	s0 =	sadd.s32 s23, s10;
	s31 =	sadd.s32 s23, s6;
	s13 =	sadd.s32 s19, s10;
	v61 =	vld [tilespmem:s8+$0x0]  }
0xc3: {  	s30 =	sadd.s32 s23, s11;
	s9 =	sadd.s32 s21, s12;
	s14 =	sadd.s32 s19, s6;
	v8 =	vmax.f32 v8, v59;
	v62 =	vld [tilespmem:s13+$0x0];
	v3 =	vmax.f32 v4, v3  }
0xc4: {  	s12 =	sadd.s32 s23, s12;
	s15 =	sadd.s32 s19, s11;
	s16 =	sadd.s32 s21, s4;
	v4 =	vmax.f32 v8, v3;
	v3 =	vld [tilespmem:s14+$0x0]  }
0xc5: {  	s17 =	sadd.s32 s21, s10;
	s18 =	sadd.s32 s21, s6;
	s24 =	sadd.s32 $0x180, s22;
	v63 =	vmax.f32 v56, v14;
	v8 =	vmax.f32 v2, v55;
	[tilespmem:s9+$0x0] =	vst v4;
	v4 =	vld [tilespmem:s15+$0x0]  }
0xc6: {  	s26 =	sadd.s32 s21, s11;
	s25 =	sadd.s32 s20, s24;
	s10 =	sadd.s32 s19, s24;
	v7 =	vmax.f32 v7, v60;
	v8 =	vmax.f32 v8, v63;
	v2 =	vld [tilespmem:s16+$0x0];
	v5 =	vmax.f32 v6, v5  }
0xc7: {  	s29 =	sadd.s32 s21, s24;
	s28 =	sadd.s32 s23, s24;
	s21 =	simm.s32 $0x0;
	[tilespmem:s25+$0x0] =	vst v8;
	v6 =	vld [tilespmem:s17+$0x0];
	v8 =	vmax.f32 v7, v5  }
0xc8: {  	s3 =	simm.s32 $0x0;
	s13 =	simm.s32 $0x0;
	s9 =	sadd.s32 s23, s4;
	v7 =	vmax.f32 v61, v62;
	v5 =	vld [tilespmem:s18+$0x0];
	[tilespmem:s12+$0x0] =	vst v8  }
.LBB2_4:
0xc9: {  	_ = 	snop  }
0xca: {  	v8 =	vld [tilespmem:s26+$0x0]  }
0xcb: {  	s1 =	rddreg [dreg:$0x4];
	s21 =	sadd.s32 $0x40, s21;
	s3 =	sadd.s32 $0x200, s3;
	v3 =	vmax.f32 v3, v4;
	v4 =	vld [tilespmem:s9+$0x0]  }
0xcc: {  	s2 =	rddreg [dreg:$0x5];
	s22 =	sand.u32 $0x40, s21;
	s26 =	sand.u32 $0x1C00, s3;
	v2 =	vmax.f32 v2, v6;
	v6 =	vld [tilespmem:s30+$0x0]  }
0xcd: {  	s11 =	rddreg [dreg:$0x6];
	s23 =	sor.u32 $0x30, s22;
	s12 =	sadd.s32 s26, s1;
	v3 =	vmax.f32 v7, v3;
	v7 =	vld [tilespmem:s0+$0x0]  }
0xce: {  	s14 =	rddreg [dreg:$0x7];
	s2 =	sadd.s32 s26, s2;
	s4 =	sadd.s32 s23, s12;
	[tilespmem:s10+$0x0] =	vst v3;
	v3 =	vld [tilespmem:s31+$0x0]  }
0xcf: {  	[smem:$0x7F3] =	sst s3;
	s3 =	sadd.s32 s26, s11;
	s15 =	sadd.s32 s23, s2;
	v9 =	vld [tilespmem:s4+$0x0]  }
0xd0: {  	s1 =	sadd.s32 s26, s14;
	v5 =	vmax.f32 v5, v8;
	s16 =	sadd.s32 s23, s3;
	v8 =	vld [tilespmem:s15+$0x0]  }
0xd1: {  	s17 =	sadd.s32 s23, s1;
	v2 =	vmax.f32 v2, v5;
	v5 =	vld [tilespmem:s16+$0x0]  }
0xd2: {  	s25 =	sor.u32 $0x10, s22;
	s13 =	sadd.s32 $0x4, s13;
	s5 =	sadd.s32 s22, s12;
	[tilespmem:s29+$0x0] =	vst v2;
	v2 =	vmax.f32 v4, v7;
	v4 =	vld [tilespmem:s17+$0x0]  }
0xd3: {  	s24 =	sor.u32 $0x20, s22;
	[smem:$0x7F5] =	sst s13;
	s6 =	sadd.s32 s22, s2;
	v7 =	vld [tilespmem:s5+$0x0]  }
0xd4: {  	p1 =	slt.u32 s13, $0x2C;
	s14 =	rddreg [dreg:$0x8];
	s7 =	sadd.s32 s22, s3;
	v3 =	vmax.f32 v3, v6;
	v6 =	vld [tilespmem:s6+$0x0]  }
0xd5: {  	s18 =	sadd.s32 s22, s1;
	s19 =	sadd.s32 s25, s12;
	s11 =	sadd.s32 s25, s2;
	v2 =	vmax.f32 v2, v3;
	v3 =	vld [tilespmem:s7+$0x0]  }
0xd6: {  	s20 =	sadd.s32 s25, s3;
	s4 =	sadd.s32 s24, s12;
	s12 =	rddreg [dreg:$0x14];
	[tilespmem:s28+$0x0] =	vst v2;
	v2 =	vld [tilespmem:s18+$0x0]  }
0xd7: {  	s8 =	sadd.s32 s25, s1;
	s0 =	sadd.s32 s24, s3;
	v10 =	vld [tilespmem:s19+$0x0];
	v8 =	vmax.f32 v9, v8;
	s28 =	sadd.s32 s26, s12;
	v4 =	vmax.f32 v5, v4  }
0xd8: {  	s15 =	rddreg [dreg:$0x9];
	s10 =	sadd.s32 s26, s14;
	s12 =	sadd.s32 s23, s28;
	v5 =	vld [tilespmem:s11+$0x0];
	v4 =	vmax.f32 v8, v4  }
0xd9: {  	s16 =	rddreg [dreg:$0xa];
	s19 =	sadd.s32 s23, s10;
	s17 =	sadd.s32 s26, s15;
	v6 =	vmax.f32 v7, v6;
	v7 =	vld [tilespmem:s20+$0x0];
	[tilespmem:s12+$0x0] =	vst v4  }
0xda: {  	s14 =	sadd.s32 s23, s17;
	s18 =	rddreg [dreg:$0xb];
	s20 =	sadd.s32 s26, s16;
	v4 =	vld [tilespmem:s19+$0x0]  }
0xdb: {  	s1 =	sadd.s32 s24, s1;
	s18 =	sadd.s32 s26, s18;
	s15 =	sadd.s32 s23, s20;
	v2 =	vmax.f32 v3, v2;
	v3 =	vld [tilespmem:s14+$0x0]  }
0xdc: {  	s5 =	sadd.s32 s25, s10;
	s13 =	sadd.s32 s22, s28;
	v2 =	vmax.f32 v6, v2;
	v6 =	vld [tilespmem:s15+$0x0];
	s15 =	sadd.s32 s23, s18  }
0xdd: {  	s6 =	sadd.s32 s24, s2;
	s9 =	sadd.s32 s22, s17;
	s31 =	sadd.s32 s24, s17;
	[tilespmem:s13+$0x0] =	vst v2;
	v2 =	vmax.f32 v10, v5;
	v5 =	vld [tilespmem:s15+$0x0]  }
0xde: {  	v54 =	vld [tilespmem:s4+$0x0];
	s4 =	sadd.s32 s24, s10;
	s7 =	sadd.s32 s22, s18;
	s11 =	sadd.s32 s24, s18  }
0xdf: {  	s16 =	sadd.s32 s25, s28;
	v8 =	vld [tilespmem:s8+$0x0];
	s8 =	sadd.s32 s25, s18;
	[smem:$0x7EC] =	sst s11  }
0xe0: {  	v55 =	vld [tilespmem:s6+$0x0];
	s11 =	sadd.s32 $0x80, s28;
	s3 =	sadd.s32 s22, s20;
	s30 =	sadd.s32 s24, s20  }
0xe1: {  	v11 =	vld [tilespmem:s0+$0x0];
	s12 =	rddreg [dreg:$0xd];
	s29 =	sadd.s32 s25, s11;
	s19 =	sadd.s32 s22, s10  }
0xe2: {  	v12 =	vld [tilespmem:s1+$0x0];
	s14 =	sadd.s32 s25, s17;
	s17 =	rddreg [dreg:$0xc];
	s10 =	sadd.s32 s24, s11;
	v3 =	vmax.f32 v4, v3;
	v4 =	vmax.f32 v6, v5  }
0xe3: {  	s1 =	sadd.s32 s26, s17;
	s17 =	sadd.s32 s23, s11;
	s15 =	sadd.s32 s25, s20;
	v5 =	vld [tilespmem:s19+$0x0];
	v3 =	vmax.f32 v3, v4  }
0xe4: {  	s20 =	rddreg [dreg:$0xe];
	s19 =	sadd.s32 s23, s1;
	v4 =	vld [tilespmem:s9+$0x0];
	s9 =	sadd.s32 s26, s12;
	[tilespmem:s17+$0x0] =	vst v3  }
0xe5: {  	s13 =	rddreg [dreg:$0xf];
	v6 =	vmax.f32 v7, v8;
	s12 =	sadd.s32 s26, s20;
	s20 =	sadd.s32 s23, s9;
	v3 =	vld [tilespmem:s19+$0x0]  }
0xe6: {  	s18 =	sadd.s32 s22, s11;
	s13 =	sadd.s32 s26, s13;
	v2 =	vmax.f32 v2, v6;
	s11 =	sadd.s32 s23, s12;
	v6 =	vld [tilespmem:s20+$0x0]  }
0xe7: {  	[smem:$0x7F0] =	sst s10;
	v7 =	vmax.f32 v11, v12;
	[tilespmem:s16+$0x0] =	vst v2;
	v2 =	vmax.f32 v54, v55;
	s17 =	sadd.s32 s23, s13;
	v8 =	vld [tilespmem:s11+$0x0];
	s20 =	sadd.s32 s25, s1  }
0xe8: {  	v2 =	vmax.f32 v2, v7;
	v7 =	vld [tilespmem:s17+$0x0];
	s17 =	sadd.s32 s25, s9;
	[smem:$0x7ED] =	sst s20  }
0xe9: {  	s2 =	sadd.s32 s24, s28;
	s19 =	sadd.s32 s25, s12;
	v56 =	vld [tilespmem:s5+$0x0];
	[smem:$0x7EE] =	sst s17  }
0xea: {  	s11 =	sadd.s32 s22, s13;
	[smem:$0x7EF] =	sst s19;
	[tilespmem:s2+$0x0] =	vst v2;
	v2 =	vld [tilespmem:s7+$0x0]  }
0xeb: {  	s5 =	sadd.s32 s24, s13;
	s20 =	sadd.s32 s25, s13;
	s13 =	rddreg [dreg:$0x11];
	v4 =	vmax.f32 v5, v4;
	v5 =	vld [tilespmem:s3+$0x0]  }
0xec: {  	s10 =	sadd.s32 s22, s9;
	s6 =	sadd.s32 s22, s12;
	s17 =	rddreg [dreg:$0x12]  }
0xed: {  	v57 =	vld [tilespmem:s14+$0x0];
	s3 =	sadd.s32 s24, s9;
	s9 =	sadd.s32 s24, s12;
	s12 =	rddreg [dreg:$0x10]  }
0xee: {  	v58 =	vld [tilespmem:s15+$0x0];
	[smem:$0x7F4] =	sst s9;
	s9 =	sadd.s32 $0x100, s28;
	v3 =	vmax.f32 v3, v6;
	v6 =	vmax.f32 v8, v7  }
0xef: {  	[smem:$0x7F1] =	sst s20;
	s0 =	sadd.s32 s26, s12;
	v7 =	vld [tilespmem:s8+$0x0];
	s20 =	sadd.s32 s23, s9;
	v3 =	vmax.f32 v3, v6  }
0xf0: {  	s19 =	rddreg [dreg:$0x13];
	s17 =	sadd.s32 s26, s17;
	s8 =	sadd.s32 s23, s0;
	[tilespmem:s20+$0x0] =	vst v3;
	v2 =	vmax.f32 v5, v2;
	v5 =	vld [tilespmem:s4+$0x0]  }
0xf1: {  	s14 =	sadd.s32 s26, s13;
	s20 =	sadd.s32 s26, s19;
	s19 =	sadd.s32 s23, s17;
	v3 =	vld [tilespmem:s8+$0x0]  }
0xf2: {  	s13 =	sadd.s32 s23, s14;
	v6 =	vld [tilespmem:s19+$0x0]  }
0xf3: {  	s26 =	sadd.s32 s23, s20;
	v2 =	vmax.f32 v4, v2;
	v4 =	vld [tilespmem:s13+$0x0]  }
0xf4: {  	s16 =	sadd.s32 s22, s1;
	s7 =	sadd.s32 s24, s1;
	v8 =	vld [tilespmem:s26+$0x0];
	[tilespmem:s18+$0x0] =	vst v2;
	v2 =	vmax.f32 v56, v57;
	v7 =	vmax.f32 v58, v7  }
0xf5: {  	[smem:$0x7F2] =	sst s3;
	s15 =	sadd.s32 s25, s9;
	s13 =	sadd.s32 s22, s17;
	v2 =	vmax.f32 v2, v7;
	v7 =	vld [tilespmem:s31+$0x0]  }
0xf6: {  	s18 =	sadd.s32 s25, s17;
	s31 =	sadd.s32 s24, s17;
	s17 =	sld [smem:$0x7EC];
	v60 =	vld [tilespmem:s16+$0x0]  }
0xf7: {  	s2 =	sadd.s32 s25, s0;
	s1 =	sadd.s32 s22, s20;
	s19 =	sadd.s32 s25, s14;
	v61 =	vld [tilespmem:s10+$0x0]  }
0xf8: {  	s26 =	sadd.s32 s25, s20;
	[tilespmem:s29+$0x0] =	vst v2;
	v2 =	vld [tilespmem:s30+$0x0];
	s30 =	sadd.s32 s24, s20;
	s20 =	sadd.s32 $0x180, s28  }
0xf9: {  	s16 =	sld [smem:$0x7ED];
	s10 =	sadd.s32 s22, s20;
	s29 =	sadd.s32 s25, s20;
	v59 =	vld [tilespmem:s17+$0x0]  }
0xfa: {  	s25 =	sadd.s32 s23, s20;
	s28 =	sadd.s32 s24, s20;
	s20 =	sld [smem:$0x7EF]  }
0xfb: {  	s12 =	sadd.s32 s22, s14;
	v3 =	vmax.f32 v3, v4;
	v4 =	vmax.f32 v6, v8;
	v6 =	vld [tilespmem:s6+$0x0];
	s17 =	sld [smem:$0x7EE]  }
0xfc: {  	s3 =	sadd.s32 s22, s9;
	s8 =	sadd.s32 s22, s0;
	s22 =	sld [smem:$0x7F0];
	v3 =	vmax.f32 v3, v4;
	v4 =	vld [tilespmem:s11+$0x0]  }
0xfd: {  	s23 =	sld [smem:$0x7F1];
	[tilespmem:s25+$0x0] =	vst v3;
	v3 =	vld [tilespmem:s16+$0x0]  }
0xfe: {  	s4 =	sadd.s32 s24, s9;
	v5 =	vmax.f32 v5, v7;
	v7 =	vld [tilespmem:s17+$0x0];
	v2 =	vmax.f32 v2, v59  }
0xff: {  	s9 =	sadd.s32 s24, s0;
	s0 =	sadd.s32 s24, s14;
	s24 =	sld [smem:$0x7F2];
	v8 =	vld [tilespmem:s20+$0x0];
	v2 =	vmax.f32 v5, v2  }
0x100: {  	s25 =	sld [smem:$0x7F4];
	[tilespmem:s22+$0x0] =	vst v2;
	v2 =	vld [tilespmem:s23+$0x0]  }
0x101: {  	v5 =	vmax.f32 v60, v61;
	v4 =	vmax.f32 v6, v4;
	v6 =	vld [tilespmem:s7+$0x0]  }
0x102: {  	v4 =	vmax.f32 v5, v4;
	v5 =	vld [tilespmem:s24+$0x0]  }
0x103: {  	v3 =	vmax.f32 v3, v7;
	v7 =	vld [tilespmem:s25+$0x0]  }
0x104: {  	[tilespmem:s3+$0x0] =	vst v4;
	v62 =	vld [tilespmem:s5+$0x0]  }
0x105: {  	v63 =	vld [tilespmem:s8+$0x0]  }
0x106: {  	v2 =	vmax.f32 v8, v2;
	v8 =	vld [tilespmem:s12+$0x0]  }
.Ltmp0:
0x107: {  	v4 =	vld [tilespmem:s1+$0x0];
	v2 =	vmax.f32 v3, v2;
	(pc) =	sbr.rel @p1 .LBB2_4-.Ltmp0, $4  }
0x108: {  	v3 =	vld [tilespmem:s13+$0x0];
	[tilespmem:s15+$0x0] =	vst v2  }
0x109: {  	v5 =	vmax.f32 v6, v5;
	v7 =	vmax.f32 v7, v62;
	v2 =	vld [tilespmem:s2+$0x0]  }
0x10a: {  	s3 =	sld [smem:$0x7F3];
	v9 =	vmax.f32 v5, v7;
	v6 =	vld [tilespmem:s19+$0x0]  }
0x10b: {  	s13 =	sld [smem:$0x7F5];
	v5 =	vld [tilespmem:s18+$0x0];
	[tilespmem:s4+$0x0] =	vst v9;
	v7 =	vmax.f32 v63, v8  }
0x10c: {  	_ = 	snop  }
0x10d: {  	v3 =	vmax.f32 v3, v4  }
0x10e: {  	v8 =	vld [tilespmem:s26+$0x0];
	v3 =	vmax.f32 v7, v3  }
0x10f: {  	v9 =	vld [tilespmem:s9+$0x0];
	[tilespmem:s10+$0x0] =	vst v3  }
0x110: {  	v10 =	vld [tilespmem:s0+$0x0];
	s17 =	sld [smem:$0x7F6]  }
0x111: {  	v11 =	vld [tilespmem:s31+$0x0]  }
0x112: {  	v12 =	vld [tilespmem:s30+$0x0]  }
0x113: {  	s17 =	sadd.s32 $0x1, s17  }
0x114: {  	p1 =	sne.s32 s17, $0x5  }
.Ltmp1:
0x115: {  	_ = 	snop;
	(pc) =	sbr.rel @p1 .LBB2_3-.Ltmp1, $4  }
0x116: {  	v2 =	vmax.f32 v2, v6;
	v62 =	vmax.f32 v5, v8  }
0x117: {  	v3 =	vmax.f32 v9, v10;
	v63 =	vmax.f32 v11, v12;
	v2 =	vmax.f32 v2, v62  }
0x118: {  	[tilespmem:s29+$0x0] =	vst v2;
	v2 =	vmax.f32 v3, v63  }
0x119: {  	[tilespmem:s28+$0x0] =	vst v2  }
0x11a: {  	s0 =	sld [smem:$0x7FC]  }
0x11b: {  	s3 =	sld [smem:$0x7F8];
	_ =	sdelay $0x2  }
0x11c: {  	s1 =	sld [smem:$0x7FA];
	s0 =	sadd.s32 s0, s3  }
0x11d: {  	s0 =	smul.u32 $0x900, s0  }
0x11e: {  	s30 =	simm.s32 $0x0  }
0x11f: {  	s2 =	simm.s32 $0x14200;
	s31 =	sor.u32 $0x1, s3;
	s0 =	sadd.s32 s1, s0  }
0x120: {  	[hbm4b:s0+s30] =	stream.linear.scatter [tilespmem:s2], [sflag:$0x1], $0x4800, $0x38;
	[tilespmem:$0x1D200] =	vst v63  }
0x121: {  	s0 =	smul.u32 $0x140, s31  }
0x122: {  	[smem:$0x7EB] =	sst s31;
	s1 =	simm.s32 @!p0 $0x2  }
0x123: {  	_ =	swait.ge @!p0 [sflag:s1], $0x4800;
	s0 =	sshra.s32 s0, $0x2  }
0x124: {  	[sflag:s1] =	ssyncset.done @!p0 $0x0;
	s0 =	sadd.s32 $0x13800, s0  }
0x125: {  	s17 =	simm.s32 $0x0;
	[sflag:s1] =	ssyncadd.s32 @!p0 $0xFFFFB800;
	v1 =	vmov s0  }
.LBB2_7:
0x126: {  	_ =	sdelay $0x1  }
0x127: {  	s0 =	sshll.u32 s17, $0x4  }
0x128: {  	s0 =	sand.u32 $0x3FFFFFF0, s0  }
0x129: {  	v2 =	vld.idx.msk [tilespmem:v1+s0+$0x0 ss:$0x1], $0xffff;
	_ =	sdelay $0x4  }
0x12a: {  	(v2sf) =	vpush v2, $0x0  }
0x12b: {  	(v2sf) =	vpush v2, $0x1  }
0x12c: {  	(v2sf) =	vpush v2, $0x2;
	_ =	sdelay $0x1  }
0x12d: {  	(v2sf) =	vpush v2, $0x3;
	_ =	sdelay $0x1  }
0x12e: {  	(v2sf) =	vpush v2, $0x4  }
0x12f: {  	(v2sf) =	vpush v2, $0x5;
	_ =	sdelay $0x2  }
0x130: {  	(v2sf) =	vpush v2, $0x6;
	_ =	sdelay $0x1  }
0x131: {  	(v2sf) =	vpush v2, $0x7;
	_ =	sdelay $0x1  }
0x132: {  	(v2sf) =	vpush v2, $0x8  }
0x133: {  	s22 =	spop (v2sf)  }
0x134: {  	[smem:$0x7E4] =	sst s17;
	s8 =	spop (v2sf)  }
0x135: {  	(v2sf) =	vpush v2, $0x9;
	s1 =	sshrl.u32 s22, $0x3;
	s0 =	sshll.u32 s22, $0x7;
	s9 =	spop (v2sf)  }
0x136: {  	s1 =	smul.u32 $0x6000, s1;
	s0 =	sand.u32 $0x380, s0;
	s16 =	sshrl.u32 s8, $0x3  }
0x137: {  	(v2sf) =	vpush v2, $0xA;
	s8 =	sshll.u32 s8, $0x7;
	s10 =	spop (v2sf);
	s16 =	smul.u32 $0x6000, s16  }
0x138: {  	s8 =	sand.u32 $0x380, s8;
	s24 =	sshrl.u32 s9, $0x3;
	s18 =	sshll.u32 s9, $0x7  }
0x139: {  	(v2sf) =	vpush v2, $0xB;
	s11 =	spop (v2sf);
	s15 =	sshra.s32 s1, $0x2;
	s25 =	smul.u32 $0x6000, s24  }
0x13a: {  	s26 =	sshrl.u32 s10, $0x3;
	s10 =	sshll.u32 s10, $0x7;
	s12 =	spop (v2sf)  }
0x13b: {  	(v2sf) =	vpush v2, $0xC;
	s15 =	sor.u32 s0, s15;
	s23 =	sshra.s32 s16, $0x2;
	s19 =	smul.u32 $0x6000, s26  }
0x13c: {  	s10 =	sand.u32 $0x380, s10;
	s21 =	sshrl.u32 s11, $0x3;
	s22 =	sshll.u32 s11, $0x7  }
0x13d: {  	s13 =	spop (v2sf);
	[dreg:$0x15] =	wrdreg s15;
	s8 =	sor.u32 s8, s23  }
0x13e: {  	(v2sf) =	vpush v2, $0xD;
	s15 =	sshra.s32 s25, $0x2;
	s23 =	sshrl.u32 s12, $0x3;
	s24 =	sshll.u32 s12, $0x7  }
0x13f: {  	s14 =	spop (v2sf);
	[dreg:$0x16] =	wrdreg s8;
	s8 =	sand.u32 $0x380, s18  }
0x140: {  	s9 =	sshra.s32 s19, $0x2;
	s11 =	smul.u32 $0x6000, s23;
	s25 =	sshrl.u32 s13, $0x3  }
0x141: {  	s7 =	spop (v2sf);
	s20 =	sor.u32 s10, s9;
	s9 =	smul.u32 $0x6000, s21  }
0x142: {  	(v2sf) =	vpush v2, $0xE;
	s8 =	sor.u32 s8, s15;
	s10 =	sand.u32 $0x380, s22;
	s12 =	smul.u32 $0x6000, s25  }
0x143: {  	s15 =	sshrl.u32 s14, $0x3;
	s19 =	sshll.u32 s14, $0x7;
	[dreg:$0x17] =	wrdreg s8  }
0x144: {  	(v2sf) =	vpush v2, $0xF;
	s6 =	spop (v2sf);
	[dreg:$0x18] =	wrdreg s20;
	s8 =	sshrl.u32 s17, $0x1  }
0x145: {  	s11 =	sshra.s32 s11, $0x2;
	s18 =	smul.u32 $0x6000, s15;
	s20 =	sshrl.u32 s7, $0x3  }
0x146: {  	s7 =	sshll.u32 s7, $0x7;
	s5 =	spop (v2sf);
	s9 =	sshra.s32 s9, $0x2  }
0x147: {  	s21 =	sshrl.u32 s6, $0x3;
	s7 =	sand.u32 $0x380, s7;
	s6 =	sshll.u32 s6, $0x7  }
0x148: {  	s4 =	spop (v2sf);
	s9 =	sor.u32 s10, s9;
	s10 =	sand.u32 $0x380, s24  }
0x149: {  	s6 =	sand.u32 $0x380, s6;
	s23 =	sshrl.u32 s5, $0x3;
	s5 =	sshll.u32 s5, $0x7  }
0x14a: {  	s3 =	spop (v2sf);
	[dreg:$0x19] =	wrdreg s9;
	s26 =	sor.u32 s10, s11  }
0x14b: {  	s11 =	sshll.u32 s13, $0x7;
	s13 =	sshra.s32 s12, $0x2;
	s9 =	sand.u32 $0x380, s19  }
0x14c: {  	s24 =	smul.u32 $0x6000, s23;
	s25 =	sshrl.u32 s4, $0x3;
	s5 =	sand.u32 $0x380, s5  }
0x14d: {  	s4 =	sshll.u32 s4, $0x7;
	s23 =	rddreg [dreg:$0x16];
	s2 =	spop (v2sf)  }
0x14e: {  	s10 =	sand.u32 $0x380, s11;
	[dreg:$0x1a] =	wrdreg s26;
	s11 =	smul.u32 $0x6000, s20  }
0x14f: {  	s26 =	sshrl.u32 s3, $0x3;
	s4 =	sand.u32 $0x380, s4;
	s3 =	sshll.u32 s3, $0x7  }
0x150: {  	s16 =	sor.u32 s10, s13;
	s10 =	sshra.s32 s18, $0x2;
	s3 =	sand.u32 $0x380, s3  }
0x151: {  	s18 =	sshll.u32 s17, $0x9;
	s1 =	spop (v2sf);
	[dreg:$0x1b] =	wrdreg s16  }
0x152: {  	s9 =	sor.u32 s9, s10;
	s11 =	sshra.s32 s11, $0x2;
	s10 =	smul.u32 $0x6000, s21  }
0x153: {  	s19 =	sand.u32 $0x200, s18;
	s0 =	spop (v2sf);
	[dreg:$0x1c] =	wrdreg s9  }
0x154: {  	s7 =	sor.u32 s7, s11;
	s9 =	sshrl.u32 s2, $0x3;
	s11 =	smul.u32 $0x6000, s8  }
0x155: {  	s2 =	sshll.u32 s2, $0x7;
	s13 =	sshrl.u32 s1, $0x3;
	s1 =	sshll.u32 s1, $0x7  }
0x156: {  	s22 =	sshra.s32 s10, $0x2;
	[dreg:$0x1d] =	wrdreg s7;
	s10 =	smul.u32 $0x6000, s9  }
0x157: {  	s7 =	sshra.s32 s24, $0x2;
	s2 =	sand.u32 $0x380, s2;
	s14 =	smul.u32 $0x6000, s13  }
0x158: {  	s15 =	sshrl.u32 s0, $0x3;
	s1 =	sand.u32 $0x380, s1;
	s0 =	sshll.u32 s0, $0x7  }
0x159: {  	s24 =	simm.s32 $0x0;
	s5 =	sor.u32 s5, s7;
	s7 =	smul.u32 $0x6000, s26  }
0x15a: {  	s6 =	sor.u32 s6, s22;
	s16 =	smul.u32 $0x6000, s15;
	s22 =	rddreg [dreg:$0x15]  }
0x15b: {  	s0 =	sand.u32 $0x380, s0;
	s20 =	sshra.s32 s11, $0x2;
	[dreg:$0x1e] =	wrdreg s6  }
0x15c: {  	s6 =	smul.u32 $0x6000, s25;
	[dreg:$0x1f] =	wrdreg s5;
	s12 =	sshra.s32 s10, $0x2  }
0x15d: {  	s21 =	sor.u32 s19, s20;
	s19 =	sand.u32 $0x40, s24;
	s24 =	sand.u32 $0x1C00, s24  }
0x15e: {  	s25 =	rddreg [dreg:$0x17];
	s7 =	sshra.s32 s7, $0x2;
	s2 =	sor.u32 s2, s12  }
0x15f: {  	s6 =	sshra.s32 s6, $0x2;
	s3 =	sor.u32 s3, s7;
	[smem:$0x7E8] =	sst s2  }
0x160: {  	s2 =	sshra.s32 s16, $0x2;
	s4 =	sor.u32 s4, s6;
	[smem:$0x7E7] =	sst s3  }
0x161: {  	s3 =	sshra.s32 s14, $0x2;
	s0 =	sor.u32 s0, s2;
	[smem:$0x7E6] =	sst s4  }
0x162: {  	s20 =	sor.u32 $0x30, s19;
	s1 =	sor.u32 s1, s3;
	[smem:$0x7EA] =	sst s0  }
0x163: {  	s6 =	sadd.s32 s24, s22;
	s0 =	sadd.s32 $0x18A00, s21;
	[smem:$0x7E9] =	sst s1  }
0x164: {  	s2 =	sadd.s32 s24, s23;
	s4 =	sadd.s32 s20, s6;
	[smem:$0x7E5] =	sst s0  }
0x165: {  	s26 =	rddreg [dreg:$0x18];
	s3 =	sadd.s32 s24, s25;
	s5 =	sadd.s32 s20, s2;
	v2 =	vld [tilespmem:s4+$0x0]  }
0x166: {  	s7 =	sadd.s32 s24, s26;
	s8 =	sadd.s32 s20, s3;
	v3 =	vld [tilespmem:s5+$0x0]  }
0x167: {  	s9 =	sadd.s32 s20, s7;
	v4 =	vld [tilespmem:s8+$0x0]  }
0x168: {  	s10 =	sadd.s32 s19, s6;
	v5 =	vld [tilespmem:s9+$0x0]  }
0x169: {  	s11 =	sadd.s32 s19, s2;
	v6 =	vld [tilespmem:s10+$0x0]  }
0x16a: {  	s12 =	sadd.s32 s19, s3;
	v7 =	vld [tilespmem:s11+$0x0]  }
0x16b: {  	s14 =	sadd.s32 s19, s7;
	v8 =	vld [tilespmem:s12+$0x0]  }
0x16c: {  	v9 =	vld [tilespmem:s14+$0x0]  }
0x16d: {  	s21 =	sor.u32 $0x10, s19;
	s13 =	sld [smem:$0x7E5]  }
0x16e: {  	s18 =	rddreg [dreg:$0x1a];
	s16 =	sadd.s32 s21, s6  }
0x16f: {  	s15 =	rddreg [dreg:$0x19];
	s17 =	sadd.s32 s21, s2;
	v10 =	vld [tilespmem:s16+$0x0]  }
0x170: {  	s26 =	rddreg [dreg:$0x1c];
	s23 =	sadd.s32 s21, s3;
	s22 =	sadd.s32 s24, s13;
	v2 =	vmax.f32 v2, v3;
	v3 =	vmax.f32 v4, v5;
	v4 =	vld [tilespmem:s17+$0x0]  }
0x171: {  	s4 =	sadd.s32 s24, s15;
	s16 =	sadd.s32 s21, s7;
	s8 =	sadd.s32 s20, s22;
	v6 =	vmax.f32 v6, v7;
	v7 =	vmax.f32 v8, v9;
	v2 =	vmax.f32 v2, v3;
	v3 =	vld [tilespmem:s23+$0x0]  }
0x172: {  	s25 =	rddreg [dreg:$0x1b];
	s0 =	sadd.s32 s24, s18;
	s12 =	sadd.s32 s20, s4;
	v6 =	vmax.f32 v6, v7;
	v7 =	vld [tilespmem:s16+$0x0];
	[tilespmem:s8+$0x0] =	vst v2  }
0x173: {  	s1 =	sadd.s32 s24, s25;
	s13 =	sadd.s32 s20, s0;
	v2 =	vld [tilespmem:s12+$0x0]  }
0x174: {  	s5 =	sadd.s32 s24, s26;
	s14 =	sadd.s32 s20, s1;
	v5 =	vld [tilespmem:s13+$0x0]  }
0x175: {  	s15 =	sadd.s32 s20, s5;
	s23 =	sor.u32 $0x20, s19;
	v11 =	vld [tilespmem:s14+$0x0]  }
0x176: {  	s17 =	sadd.s32 s19, s22;
	s6 =	sadd.s32 s23, s6;
	v8 =	vld [tilespmem:s15+$0x0]  }
0x177: {  	s2 =	sadd.s32 s23, s2;
	[tilespmem:s17+$0x0] =	vst v6;
	v6 =	vld [tilespmem:s6+$0x0]  }
0x178: {  	s3 =	sadd.s32 s23, s3;
	v49 =	vld [tilespmem:s2+$0x0]  }
0x179: {  	s7 =	sadd.s32 s23, s7;
	v12 =	vld [tilespmem:s3+$0x0]  }
0x17a: {  	v13 =	vld [tilespmem:s7+$0x0]  }
0x17b: {  	s18 =	rddreg [dreg:$0x1d]  }
0x17c: {  	s26 =	rddreg [dreg:$0x1e]  }
0x17d: {  	s10 =	sadd.s32 s19, s0;
	s25 =	sadd.s32 s19, s4;
	s12 =	sld [smem:$0x7E6];
	v4 =	vmax.f32 v10, v4;
	v3 =	vmax.f32 v3, v7  }
0x17e: {  	s2 =	sadd.s32 $0x80, s22;
	s11 =	rddreg [dreg:$0x1f];
	s7 =	sadd.s32 s24, s18;
	v3 =	vmax.f32 v4, v3;
	v2 =	vmax.f32 v2, v5;
	v5 =	vmax.f32 v11, v8;
	v8 =	vld [tilespmem:s25+$0x0]  }
0x17f: {  	s9 =	sadd.s32 s24, s11;
	s18 =	sadd.s32 s21, s22;
	s11 =	sadd.s32 s19, s1;
	v4 =	vmax.f32 v6, v49;
	v6 =	vmax.f32 v12, v13;
	v2 =	vmax.f32 v2, v5;
	v5 =	vld [tilespmem:s10+$0x0]  }
0x180: {  	s13 =	sadd.s32 s20, s2;
	s8 =	sadd.s32 s24, s12;
	s12 =	sadd.s32 s21, s0;
	[tilespmem:s18+$0x0] =	vst v3;
	v3 =	vmax.f32 v4, v6;
	v4 =	vld [tilespmem:s11+$0x0]  }
0x181: {  	s3 =	sadd.s32 s24, s26;
	s26 =	sadd.s32 s19, s5;
	s25 =	sadd.s32 s23, s22;
	v52 =	vld [tilespmem:s12+$0x0];
	[tilespmem:s13+$0x0] =	vst v2  }
0x182: {  	s14 =	sadd.s32 s20, s7;
	[tilespmem:s25+$0x0] =	vst v3;
	v3 =	vld [tilespmem:s26+$0x0]  }
0x183: {  	s15 =	sadd.s32 s20, s3;
	v2 =	vld [tilespmem:s14+$0x0]  }
0x184: {  	s16 =	sadd.s32 s20, s9;
	v50 =	vld [tilespmem:s15+$0x0]  }
0x185: {  	s17 =	sadd.s32 s20, s8;
	v7 =	vld [tilespmem:s16+$0x0]  }
0x186: {  	s11 =	sadd.s32 s21, s4;
	v51 =	vld [tilespmem:s17+$0x0];
	s13 =	sld [smem:$0x7E7]  }
0x187: {  	s0 =	sadd.s32 s23, s0;
	v6 =	vld [tilespmem:s11+$0x0];
	s18 =	sld [smem:$0x7E9]  }
0x188: {  	s14 =	sadd.s32 s21, s1;
	s16 =	sld [smem:$0x7E8];
	v15 =	vld [tilespmem:s0+$0x0]  }
0x189: {  	s15 =	sadd.s32 s21, s5;
	s25 =	sld [smem:$0x7EA];
	v53 =	vld [tilespmem:s14+$0x0]  }
0x18a: {  	v54 =	vld [tilespmem:s15+$0x0];
	s6 =	sadd.s32 s24, s18;
	v5 =	vmax.f32 v8, v5;
	s18 =	sadd.s32 s23, s1  }
0x18b: {  	s17 =	sadd.s32 s23, s4;
	s4 =	sadd.s32 s24, s13;
	s10 =	sadd.s32 s24, s16;
	v3 =	vmax.f32 v4, v3;
	v4 =	vld [tilespmem:s18+$0x0];
	v2 =	vmax.f32 v2, v50;
	v7 =	vmax.f32 v7, v51  }
0x18c: {  	s11 =	sadd.s32 s24, s25;
	s24 =	sadd.s32 s23, s5;
	s25 =	sadd.s32 s19, s2;
	v3 =	vmax.f32 v5, v3;
	v2 =	vmax.f32 v2, v7;
	v7 =	vld [tilespmem:s17+$0x0]  }
0x18d: {  	s12 =	sadd.s32 $0x100, s22;
	s5 =	sadd.s32 s19, s3;
	[tilespmem:s25+$0x0] =	vst v3;
	v3 =	vld [tilespmem:s24+$0x0]  }
0x18e: {  	s26 =	sadd.s32 s20, s12;
	s13 =	sadd.s32 s19, s9;
	v57 =	vld [tilespmem:s5+$0x0]  }
0x18f: {  	s14 =	sadd.s32 s20, s4;
	[tilespmem:s26+$0x0] =	vst v2;
	v58 =	vld [tilespmem:s13+$0x0]  }
0x190: {  	s15 =	sadd.s32 s20, s10;
	v2 =	vld [tilespmem:s14+$0x0]  }
0x191: {  	s16 =	sadd.s32 s20, s6;
	v55 =	vld [tilespmem:s15+$0x0]  }
0x192: {  	s17 =	sadd.s32 s20, s11;
	v56 =	vld [tilespmem:s16+$0x0]  }
0x193: {  	v6 =	vmax.f32 v6, v52;
	v8 =	vmax.f32 v53, v54;
	s26 =	sadd.s32 s19, s7;
	v14 =	vld [tilespmem:s17+$0x0]  }
0x194: {  	v6 =	vmax.f32 v6, v8;
	v5 =	vld [tilespmem:s26+$0x0];
	s14 =	sadd.s32 s21, s2;
	s15 =	sadd.s32 s19, s8  }
0x195: {  	s16 =	sadd.s32 s21, s7;
	[tilespmem:s14+$0x0] =	vst v6;
	v6 =	vld [tilespmem:s15+$0x0]  }
0x196: {  	s17 =	sadd.s32 s21, s3;
	v8 =	vld [tilespmem:s16+$0x0]  }
0x197: {  	s18 =	sadd.s32 s21, s9;
	v59 =	vld [tilespmem:s17+$0x0];
	v7 =	vmax.f32 v7, v15;
	v3 =	vmax.f32 v4, v3  }
0x198: {  	s24 =	sadd.s32 s23, s2;
	s25 =	sadd.s32 s21, s8;
	v4 =	vld [tilespmem:s18+$0x0];
	v3 =	vmax.f32 v7, v3  }
0x199: {  	s26 =	sadd.s32 s23, s7;
	[tilespmem:s24+$0x0] =	vst v3;
	v3 =	vld [tilespmem:s25+$0x0]  }
0x19a: {  	s1 =	sadd.s32 s23, s3;
	v7 =	vld [tilespmem:s26+$0x0]  }
0x19b: {  	s3 =	sadd.s32 s23, s9;
	v5 =	vmax.f32 v5, v57;
	v6 =	vmax.f32 v58, v6;
	v60 =	vld [tilespmem:s1+$0x0]  }
0x19c: {  	s5 =	sadd.s32 s23, s8;
	s7 =	sadd.s32 s19, s12;
	v5 =	vmax.f32 v5, v6;
	v6 =	vld [tilespmem:s3+$0x0]  }
0x19d: {  	s8 =	sadd.s32 s19, s4;
	[tilespmem:s7+$0x0] =	vst v5;
	v5 =	vld [tilespmem:s5+$0x0]  }
0x19e: {  	s0 =	sadd.s32 s23, s10;
	s31 =	sadd.s32 s23, s6;
	s13 =	sadd.s32 s19, s10;
	v61 =	vld [tilespmem:s8+$0x0]  }
0x19f: {  	s30 =	sadd.s32 s23, s11;
	s9 =	sadd.s32 s21, s12;
	s14 =	sadd.s32 s19, s6;
	v8 =	vmax.f32 v8, v59;
	v62 =	vld [tilespmem:s13+$0x0];
	v3 =	vmax.f32 v4, v3  }
0x1a0: {  	s12 =	sadd.s32 s23, s12;
	s15 =	sadd.s32 s19, s11;
	s16 =	sadd.s32 s21, s4;
	v4 =	vmax.f32 v8, v3;
	v3 =	vld [tilespmem:s14+$0x0]  }
0x1a1: {  	s17 =	sadd.s32 s21, s10;
	s18 =	sadd.s32 s21, s6;
	s24 =	sadd.s32 $0x180, s22;
	v63 =	vmax.f32 v56, v14;
	v8 =	vmax.f32 v2, v55;
	[tilespmem:s9+$0x0] =	vst v4;
	v4 =	vld [tilespmem:s15+$0x0]  }
0x1a2: {  	s26 =	sadd.s32 s21, s11;
	s25 =	sadd.s32 s20, s24;
	s10 =	sadd.s32 s19, s24;
	v7 =	vmax.f32 v7, v60;
	v8 =	vmax.f32 v8, v63;
	v2 =	vld [tilespmem:s16+$0x0];
	v5 =	vmax.f32 v6, v5  }
0x1a3: {  	s29 =	sadd.s32 s21, s24;
	s28 =	sadd.s32 s23, s24;
	s20 =	simm.s32 $0x0;
	[tilespmem:s25+$0x0] =	vst v8;
	v6 =	vld [tilespmem:s17+$0x0];
	v8 =	vmax.f32 v7, v5  }
0x1a4: {  	s21 =	simm.s32 $0x0;
	s13 =	simm.s32 $0x0;
	s9 =	sadd.s32 s23, s4;
	v7 =	vmax.f32 v61, v62;
	v5 =	vld [tilespmem:s18+$0x0];
	[tilespmem:s12+$0x0] =	vst v8  }
.LBB2_8:
0x1a5: {  	_ = 	snop  }
0x1a6: {  	v8 =	vld [tilespmem:s26+$0x0];
	s20 =	sadd.s32 $0x200, s20;
	s21 =	sadd.s32 $0x40, s21  }
0x1a7: {  	s1 =	rddreg [dreg:$0x15];
	s22 =	sand.u32 $0x40, s21;
	s26 =	sand.u32 $0x1C00, s20;
	v3 =	vmax.f32 v3, v4;
	v4 =	vld [tilespmem:s9+$0x0]  }
0x1a8: {  	s16 =	sadd.s32 s26, s1;
	s23 =	sor.u32 $0x30, s22;
	v2 =	vmax.f32 v2, v6;
	v6 =	vld [tilespmem:s30+$0x0]  }
0x1a9: {  	s2 =	rddreg [dreg:$0x16];
	s4 =	sadd.s32 s23, s16;
	v3 =	vmax.f32 v7, v3;
	v7 =	vld [tilespmem:s0+$0x0]  }
0x1aa: {  	s3 =	rddreg [dreg:$0x17];
	s2 =	sadd.s32 s26, s2;
	v9 =	vld [tilespmem:s4+$0x0]  }
0x1ab: {  	s17 =	rddreg [dreg:$0x18];
	s5 =	sadd.s32 s26, s3;
	s18 =	sadd.s32 s23, s2;
	[tilespmem:s10+$0x0] =	vst v3;
	v3 =	vld [tilespmem:s31+$0x0]  }
0x1ac: {  	s1 =	sadd.s32 s26, s17;
	s6 =	sadd.s32 s23, s5;
	v5 =	vmax.f32 v5, v8;
	v8 =	vld [tilespmem:s18+$0x0]  }
0x1ad: {  	s9 =	sadd.s32 s23, s1;
	v2 =	vmax.f32 v2, v5;
	v5 =	vld [tilespmem:s6+$0x0]  }
0x1ae: {  	s19 =	sadd.s32 s22, s16;
	[tilespmem:s29+$0x0] =	vst v2;
	v2 =	vmax.f32 v4, v7;
	v4 =	vld [tilespmem:s9+$0x0]  }
0x1af: {  	s15 =	sld [smem:$0x7E5];
	s25 =	sor.u32 $0x10, s22;
	s7 =	sadd.s32 s22, s2;
	v7 =	vld [tilespmem:s19+$0x0]  }
0x1b0: {  	s24 =	sor.u32 $0x20, s22;
	s17 =	rddreg [dreg:$0x1a];
	s8 =	sadd.s32 s22, s5;
	v3 =	vmax.f32 v3, v6;
	v6 =	vld [tilespmem:s7+$0x0]  }
0x1b1: {  	s13 =	sadd.s32 $0x4, s13;
	s14 =	sadd.s32 s25, s16;
	s10 =	sadd.s32 s22, s1;
	v2 =	vmax.f32 v2, v3;
	v3 =	vld [tilespmem:s8+$0x0]  }
0x1b2: {  	s11 =	sadd.s32 s25, s2;
	s12 =	sadd.s32 s25, s5;
	[smem:$0x7E3] =	sst s13;
	[tilespmem:s28+$0x0] =	vst v2;
	v2 =	vld [tilespmem:s10+$0x0]  }
0x1b3: {  	s4 =	sadd.s32 s24, s16;
	s16 =	rddreg [dreg:$0x19];
	v10 =	vld [tilespmem:s14+$0x0];
	v8 =	vmax.f32 v9, v8;
	s28 =	sadd.s32 s26, s15;
	v4 =	vmax.f32 v5, v4  }
0x1b4: {  	p0 =	slt.u32 s13, $0x2C;
	s8 =	sadd.s32 s26, s16;
	s14 =	sadd.s32 s23, s28;
	v5 =	vld [tilespmem:s11+$0x0];
	v4 =	vmax.f32 v8, v4  }
0x1b5: {  	s13 =	sadd.s32 s26, s17;
	s18 =	rddreg [dreg:$0x1b];
	s15 =	sadd.s32 s23, s8;
	v54 =	vld [tilespmem:s4+$0x0];
	[tilespmem:s14+$0x0] =	vst v4  }
0x1b6: {  	s17 =	sadd.s32 s26, s18;
	s19 =	rddreg [dreg:$0x1c];
	s7 =	sadd.s32 s23, s13;
	v4 =	vld [tilespmem:s15+$0x0]  }
0x1b7: {  	s3 =	sadd.s32 s24, s2;
	s18 =	sadd.s32 s26, s19;
	s11 =	sadd.s32 s23, s17;
	v6 =	vmax.f32 v7, v6;
	v2 =	vmax.f32 v3, v2;
	v3 =	vld [tilespmem:s7+$0x0]  }
0x1b8: {  	s0 =	sadd.s32 s24, s5;
	s2 =	sadd.s32 s23, s18;
	s10 =	sadd.s32 s22, s28;
	v2 =	vmax.f32 v6, v2;
	v6 =	vld [tilespmem:s11+$0x0]  }
0x1b9: {  	s6 =	sadd.s32 s25, s1;
	s1 =	sadd.s32 s24, s1;
	s19 =	sadd.s32 s22, s8;
	[tilespmem:s10+$0x0] =	vst v2;
	v2 =	vmax.f32 v10, v5;
	v5 =	vld [tilespmem:s2+$0x0]  }
0x1ba: {  	s5 =	sadd.s32 s25, s8;
	s4 =	sadd.s32 s24, s8;
	v11 =	vld [tilespmem:s0+$0x0];
	s8 =	sld [smem:$0x7E6]  }
0x1bb: {  	s31 =	sadd.s32 s24, s13;
	s30 =	sadd.s32 s24, s17;
	s0 =	rddreg [dreg:$0x1f];
	v7 =	vld [tilespmem:s12+$0x0]  }
0x1bc: {  	s16 =	sadd.s32 s25, s28;
	v8 =	vld [tilespmem:s6+$0x0];
	s12 =	rddreg [dreg:$0x1d];
	s14 =	sadd.s32 s22, s13  }
0x1bd: {  	v12 =	vld [tilespmem:s1+$0x0];
	s1 =	sadd.s32 s26, s12;
	s8 =	sadd.s32 s26, s8;
	s15 =	sadd.s32 s25, s13  }
0x1be: {  	v55 =	vld [tilespmem:s3+$0x0];
	s13 =	sadd.s32 s24, s18;
	s11 =	sadd.s32 s22, s17;
	s10 =	sadd.s32 $0x80, s28;
	v3 =	vmax.f32 v4, v3;
	v4 =	vmax.f32 v6, v5  }
0x1bf: {  	s2 =	sadd.s32 s25, s17;
	s17 =	rddreg [dreg:$0x1e];
	v5 =	vld [tilespmem:s19+$0x0];
	s19 =	sadd.s32 s23, s10;
	v3 =	vmax.f32 v3, v4  }
0x1c0: {  	[smem:$0x7DA] =	sst s13;
	s13 =	sadd.s32 s26, s17;
	s17 =	sadd.s32 s23, s1;
	v4 =	vld [tilespmem:s14+$0x0];
	[tilespmem:s19+$0x0] =	vst v3  }
0x1c1: {  	s12 =	sadd.s32 s26, s0;
	s3 =	sadd.s32 s22, s8;
	v6 =	vmax.f32 v7, v8;
	s19 =	sadd.s32 s23, s13;
	v3 =	vld [tilespmem:s17+$0x0]  }
0x1c2: {  	[smem:$0x7DC] =	sst s3;
	s3 =	sadd.s32 s25, s8;
	v2 =	vmax.f32 v2, v6;
	s14 =	sadd.s32 s23, s12;
	v6 =	vld [tilespmem:s19+$0x0]  }
0x1c3: {  	[smem:$0x7E0] =	sst s3;
	[tilespmem:s16+$0x0] =	vst v2;
	v8 =	vld [tilespmem:s14+$0x0]  }
0x1c4: {  	s9 =	sadd.s32 s24, s28;
	v7 =	vmax.f32 v11, v12;
	v2 =	vmax.f32 v54, v55;
	s19 =	sadd.s32 s23, s8;
	s14 =	sld [smem:$0x7E8];
	v57 =	vld [tilespmem:s15+$0x0]  }
0x1c5: {  	s7 =	sadd.s32 s22, s18;
	s17 =	sadd.s32 s22, s13;
	v2 =	vmax.f32 v2, v7;
	s15 =	sld [smem:$0x7E9];
	v7 =	vld [tilespmem:s19+$0x0]  }
0x1c6: {  	[smem:$0x7DB] =	sst s17;
	s17 =	sadd.s32 s25, s1;
	[tilespmem:s9+$0x0] =	vst v2;
	v2 =	vld [tilespmem:s7+$0x0]  }
0x1c7: {  	s19 =	sadd.s32 s25, s12;
	[smem:$0x7DD] =	sst s17;
	v4 =	vmax.f32 v5, v4;
	v5 =	vld [tilespmem:s11+$0x0]  }
0x1c8: {  	s9 =	sadd.s32 s24, s13;
	s11 =	sadd.s32 s25, s13;
	s13 =	sld [smem:$0x7E7]  }
0x1c9: {  	s6 =	sadd.s32 s25, s18;
	s18 =	sadd.s32 s22, s10;
	v56 =	vld [tilespmem:s5+$0x0];
	[smem:$0x7DE] =	sst s19  }
0x1ca: {  	s29 =	sadd.s32 s25, s10;
	v58 =	vld [tilespmem:s2+$0x0];
	[smem:$0x7E1] =	sst s9;
	s9 =	sadd.s32 $0x100, s28;
	v3 =	vmax.f32 v3, v6;
	v6 =	vmax.f32 v8, v7  }
0x1cb: {  	s17 =	sld [smem:$0x7EA];
	s19 =	sadd.s32 s23, s9;
	s0 =	sadd.s32 s26, s13;
	v7 =	vld [tilespmem:s6+$0x0];
	v3 =	vmax.f32 v3, v6  }
0x1cc: {  	s5 =	sadd.s32 s24, s8;
	s6 =	sadd.s32 s26, s14;
	s8 =	sadd.s32 s23, s0;
	v2 =	vmax.f32 v5, v2;
	v5 =	vld [tilespmem:s4+$0x0];
	[tilespmem:s19+$0x0] =	vst v3  }
0x1cd: {  	s10 =	sadd.s32 s24, s10;
	s15 =	sadd.s32 s26, s15;
	s13 =	sadd.s32 s23, s6;
	v3 =	vld [tilespmem:s8+$0x0]  }
0x1ce: {  	[smem:$0x7DF] =	sst s10;
	s17 =	sadd.s32 s26, s17;
	s19 =	sadd.s32 s23, s15;
	v2 =	vmax.f32 v4, v2;
	v4 =	vld [tilespmem:s13+$0x0]  }
0x1cf: {  	s10 =	sadd.s32 s22, s12;
	s12 =	sadd.s32 s24, s12;
	s26 =	sadd.s32 s23, s17;
	v6 =	vld [tilespmem:s19+$0x0]  }
0x1d0: {  	s16 =	sadd.s32 s22, s1;
	[smem:$0x7E2] =	sst s12;
	v8 =	vld [tilespmem:s26+$0x0];
	[tilespmem:s18+$0x0] =	vst v2  }
0x1d1: {  	s7 =	sadd.s32 s24, s1;
	s13 =	sadd.s32 s22, s15;
	v2 =	vmax.f32 v56, v57;
	v7 =	vmax.f32 v58, v7;
	v60 =	vld [tilespmem:s16+$0x0];
	s16 =	sld [smem:$0x7DB]  }
0x1d2: {  	s18 =	sadd.s32 s25, s15;
	v2 =	vmax.f32 v2, v7;
	v7 =	vld [tilespmem:s31+$0x0];
	s31 =	sadd.s32 s24, s15;
	s15 =	sld [smem:$0x7DA]  }
0x1d3: {  	s14 =	sadd.s32 s25, s9;
	s1 =	sadd.s32 s22, s17;
	s2 =	sadd.s32 s25, s0;
	[tilespmem:s29+$0x0] =	vst v2;
	v2 =	vld [tilespmem:s30+$0x0]  }
0x1d4: {  	s26 =	sadd.s32 s25, s17;
	s30 =	sadd.s32 s24, s17;
	s17 =	sadd.s32 $0x180, s28;
	v61 =	vld [tilespmem:s16+$0x0]  }
0x1d5: {  	s19 =	sadd.s32 s25, s6;
	s29 =	sadd.s32 s25, s17;
	s25 =	sld [smem:$0x7DC];
	v59 =	vld [tilespmem:s15+$0x0]  }
0x1d6: {  	s3 =	sadd.s32 s22, s9;
	v3 =	vmax.f32 v3, v4;
	v4 =	vmax.f32 v6, v8;
	v6 =	vld [tilespmem:s10+$0x0];
	s10 =	sadd.s32 s22, s17;
	s16 =	sld [smem:$0x7DD]  }
0x1d7: {  	s23 =	sadd.s32 s23, s17;
	s28 =	sadd.s32 s24, s17;
	s17 =	sld [smem:$0x7DE]  }
0x1d8: {  	s12 =	sadd.s32 s22, s6;
	s8 =	sadd.s32 s22, s0;
	s22 =	sld [smem:$0x7DF];
	v3 =	vmax.f32 v3, v4;
	v4 =	vld [tilespmem:s25+$0x0]  }
0x1d9: {  	[tilespmem:s23+$0x0] =	vst v3;
	s23 =	sld [smem:$0x7E0];
	v3 =	vld [tilespmem:s16+$0x0]  }
0x1da: {  	s4 =	sadd.s32 s24, s9;
	v5 =	vmax.f32 v5, v7;
	v7 =	vld [tilespmem:s11+$0x0];
	v2 =	vmax.f32 v2, v59  }
0x1db: {  	s9 =	sadd.s32 s24, s0;
	s0 =	sadd.s32 s24, s6;
	s24 =	sld [smem:$0x7E1];
	v8 =	vld [tilespmem:s17+$0x0];
	v2 =	vmax.f32 v5, v2  }
0x1dc: {  	s25 =	sld [smem:$0x7E2];
	[tilespmem:s22+$0x0] =	vst v2;
	v2 =	vld [tilespmem:s23+$0x0]  }
0x1dd: {  	v5 =	vmax.f32 v60, v61;
	v4 =	vmax.f32 v6, v4;
	v6 =	vld [tilespmem:s7+$0x0]  }
0x1de: {  	v4 =	vmax.f32 v5, v4;
	v5 =	vld [tilespmem:s24+$0x0]  }
0x1df: {  	v3 =	vmax.f32 v3, v7;
	v7 =	vld [tilespmem:s25+$0x0]  }
0x1e0: {  	v62 =	vld [tilespmem:s5+$0x0];
	[tilespmem:s3+$0x0] =	vst v4  }
0x1e1: {  	v63 =	vld [tilespmem:s8+$0x0]  }
0x1e2: {  	v2 =	vmax.f32 v8, v2;
	v8 =	vld [tilespmem:s12+$0x0]  }
.Ltmp2:
0x1e3: {  	v4 =	vld [tilespmem:s1+$0x0];
	v2 =	vmax.f32 v3, v2;
	(pc) =	sbr.rel @p0 .LBB2_8-.Ltmp2, $4  }
0x1e4: {  	v3 =	vld [tilespmem:s13+$0x0];
	[tilespmem:s14+$0x0] =	vst v2  }
0x1e5: {  	v5 =	vmax.f32 v6, v5;
	v7 =	vmax.f32 v7, v62;
	v2 =	vld [tilespmem:s2+$0x0]  }
0x1e6: {  	v9 =	vmax.f32 v5, v7;
	v6 =	vld [tilespmem:s19+$0x0]  }
0x1e7: {  	s13 =	sld [smem:$0x7E3];
	v5 =	vld [tilespmem:s18+$0x0];
	[tilespmem:s4+$0x0] =	vst v9;
	v7 =	vmax.f32 v63, v8  }
0x1e8: {  	_ = 	snop  }
0x1e9: {  	v3 =	vmax.f32 v3, v4  }
0x1ea: {  	v8 =	vld [tilespmem:s26+$0x0];
	v3 =	vmax.f32 v7, v3  }
0x1eb: {  	v9 =	vld [tilespmem:s9+$0x0];
	[tilespmem:s10+$0x0] =	vst v3  }
0x1ec: {  	v10 =	vld [tilespmem:s0+$0x0];
	s17 =	sld [smem:$0x7E4]  }
0x1ed: {  	v11 =	vld [tilespmem:s31+$0x0]  }
0x1ee: {  	v12 =	vld [tilespmem:s30+$0x0]  }
0x1ef: {  	s17 =	sadd.s32 $0x1, s17  }
0x1f0: {  	p0 =	sne.s32 s17, $0x5  }
.Ltmp3:
0x1f1: {  	_ = 	snop;
	(pc) =	sbr.rel @p0 .LBB2_7-.Ltmp3, $4  }
0x1f2: {  	v2 =	vmax.f32 v2, v6;
	v62 =	vmax.f32 v5, v8  }
0x1f3: {  	v3 =	vmax.f32 v9, v10;
	v63 =	vmax.f32 v11, v12;
	v2 =	vmax.f32 v2, v62  }
0x1f4: {  	[tilespmem:s29+$0x0] =	vst v2;
	v2 =	vmax.f32 v3, v63  }
0x1f5: {  	[tilespmem:s28+$0x0] =	vst v2  }
0x1f6: {  	s0 =	sld [smem:$0x7FC]  }
0x1f7: {  	s1 =	sld [smem:$0x7EB];
	_ =	sdelay $0x2  }
0x1f8: {  	s29 =	sld [smem:$0x7FA];
	s0 =	sadd.s32 s0, s1  }
0x1f9: {  	s0 =	smul.u32 $0x900, s0  }
0x1fa: {  	s31 =	sld [smem:$0x7F7]  }
0x1fb: {  	s30 =	simm.s32 $0x0;
	s2 =	simm.s32 $0x18A00;
	s0 =	sadd.s32 s29, s0  }
0x1fc: {  	[hbm4b:s0+s30] =	stream.linear.scatter [tilespmem:s2], [sflag:$0x2], $0x4800, $0x38;
	[tilespmem:$0x1D200] =	vst v63  }
0x1fd: {  	s2 =	sadd.s32 $0x1, s31  }
0x1fe: {  	p0 =	sne.s32 s2, $0x10  }
.Ltmp4:
0x1ff: {  	_ = 	snop;
	(pc) =	sbr.rel @p0 .LBB2_2-.Ltmp4, $1  }
0x200: {  	_ =	sdelay $0x3  }
0x201: {  	s0 =	simm.s32 $0x1  }
0x202: {  	_ =	swait.ge [sflag:s0], $0x4800  }
0x203: {  	[sflag:s0] =	ssyncset.done $0x0  }
0x204: {  	s1 =	simm.s32 $0x2;
	[sflag:s0] =	ssyncadd.s32 $0xFFFFB800  }
0x205: {  	_ =	swait.ge [sflag:s1], $0x4800  }
0x206: {  	s2 =	sld [smem:$0x7F9]  }
0x207: {  	s31 =	sld [smem:$0x7FD];
	_ =	sdelay $0x1  }
0x208: {  	s2 =	sadd.s32 $0x1, s2  }
0x209: {  	p0 =	sne.s32 s2, s31  }
.Ltmp5:
0x20a: {  	_ = 	snop;
	(pc) =	sbr.rel @p0 .LBB2_1-.Ltmp5, $3  }
0x20b: {  	_ =	sdelay $0x1  }
0x20c: {  	[sflag:s1] =	ssyncset.done $0x0  }
0x20d: {  	[sflag:s1] =	ssyncadd.s32 $0xFFFFB800  }
0x20e: {  	_ =	sfence.sel $0x180000  }
0x20f: {  	[bflag:$0x0] =	sbarrier.arrive $0xFFFF  }
0x210: {  	_ =	strace $0x90000047  }
0x211: {  	s0 =	stileid.u32;
	[bflag:$0x2] =	sbarrier.arrive $0xFFFF  }
0x212: {  	p0 =	sne.s32 s0, $0x0;
	s0 =	rddreg [dreg:$0x3]  }
0x213: {  	s0 =	sadd.s32 @!p0 $0x100000, s0  }
0x214: {  	[sflag:s0] =	ssyncadd.tile.s32 @!p0 $0x1;
	_ =	shalt  }
.Lfunc_end2:
_tile_overlayer_lowered:
.L_overlay_start_2:
0x215: {  	(tag) =	ssettag $0x2  }
0x216: {  	s0 =	rddreg [dreg:$0x0];
	s2 =	stileid.u32  }
0x217: {  	s1 =	rddreg [dreg:$0x1];
	p0 =	sne.s32 s2, $0x0  }
0x218: {  	s3 =	rddreg [dreg:$0x2];
	[bflag:$0x3] =	sbarrier.arrive $0xFFFF;
	s2 =	simm.s32 @!p0 $0x1C03  }
0x219: {  	[timem:s3], [sflag:s2] =	dma.local @!p0 [hbm:s0], s1  }
0x21a: {  	s0 =	simm.s32 @!p0 $0x3  }
0x21b: {  	_ =	swait.ge @!p0 [sflag:s0], s1  }
0x21c: {  	s1 =	ssub.s32 @!p0 $0x0, s1;
	[sflag:s0] =	ssyncset.done @!p0 $0x0  }
0x21d: {  	[sflag:s0] =	ssyncadd.s32 @!p0 s1  }
0x21e: {  	[bflag:$0x3] =	sbarrier.arrive $0xFFFF  }
0x21f: {  	_ =	shalt  }

</sc_bundles>
